<compile_context>
chip_gen: v7x
topology: tpu7x:2x2x1
jax: 0.10.2.dev20260603
libtpu: 0.0.44.dev20260713+nightly
codegen_flags: <defaults>
</compile_context>

<pallas_src>
import functools

import jax
import jax.numpy as jnp
import numpy as np
from jax import lax
from jax.experimental import pallas as pl
from jax.experimental.pallas import tpu as pltpu
from jax.experimental.pallas import tpu_sc as plsc

_NC = 2
_NS = 16
_NW = _NC * _NS
_B = 16384
_D2 = 32
_BPW = _B // _NW
_CH = 128
_NCH = _BPW // _CH

_HALF_LN_2PI = 0.9189385332046727



def _gather_body(idx_hbm, table, bias_hbm, rows_out, bias_out,
                 idx, rows, biasv, sem, bias_sem):
    wid = lax.axis_index("s") * _NC + lax.axis_index("c")
    rbase = wid * _NCH
    base = wid * _BPW

    pltpu.sync_copy(idx_hbm.at[pl.ds(rbase, _NCH)], idx)

    cps = []
    for j in range(_NCH):
        cps.append(pltpu.async_copy(
            table.at[idx.at[j]], rows.at[pl.ds(j * _CH, _CH)], sem))
        cps.append(pltpu.async_copy(bias_hbm.at[idx.at[j]], biasv.at[j],
                                    bias_sem))
    for cp in cps:
        cp.wait()

    pltpu.sync_copy(rows, rows_out.at[pl.ds(base, _BPW)])
    pltpu.sync_copy(biasv, bias_out.at[pl.ds(rbase, _NCH)])


def _sc_gather(idx2d, table, bias):
    mesh = plsc.VectorSubcoreMesh(core_axis_name="c", subcore_axis_name="s")
    f32 = jnp.float32
    return pl.kernel(
        _gather_body,
        out_type=(
            jax.ShapeDtypeStruct((_B, _D2), f32),
            jax.ShapeDtypeStruct((_NW * _NCH, _CH), f32),
        ),
        mesh=mesh,
        scratch_types=[
            pltpu.VMEM((_NCH, _CH), jnp.int32),
            pltpu.VMEM((_BPW, _D2), f32),
            pltpu.VMEM((_NCH, _CH), f32),
            pltpu.SemaphoreType.DMA,
            pltpu.SemaphoreType.DMA,
        ],
        compiler_params=pltpu.CompilerParams(use_tc_tiling_on_sc=False),
    )(idx2d, table, bias)



def _lgamma_big(x, lx, r):
    return (x - 0.5) * lx - x + _HALF_LN_2PI + r * (1.0 / 12.0 - r * r * (1.0 / 360.0))


def _digamma_big(lx, r):
    r2 = r * r
    return lx - r * 0.5 - r2 * (1.0 / 12.0) + r2 * r2 * (1.0 / 120.0)


def _atan(t):
    a = jnp.abs(t)
    inv = 1.0 / jnp.maximum(a, 1e-30)
    z = jnp.minimum(a, inv)
    z2 = z * z
    p = z * (0.9998660 + z2 * (-0.3302995 + z2 * (0.1801410
            + z2 * (-0.0851330 + z2 * 0.0208351))))
    r = jnp.where(a > 1.0, (jnp.pi / 2.0) - p, p)
    return jnp.sign(t) * r


def _math_body(u_ref, m_ref, bu_ref, bm_ref, s_ref, o_ref):
    u = u_ref[...]
    m = m_ref[...]
    u = jnp.where(u != u, 0.05, u)
    m = jnp.where(m != m, 0.05, m)
    u = jnp.clip(u + 1.0, 1.0, 100.0)
    m = jnp.clip(m + 1.0, 1.0, 100.0)

    au = u
    am = m
    bu = jnp.concatenate([u[:, 16:], u[:, :16]], axis=1)
    bm = jnp.concatenate([m[:, 16:], m[:, :16]], axis=1)

    c1m = 0.5 * (bu + bm)
    c0m = 0.5 * (au + am)
    sq = c1m + c0m
    spu = au + bu
    spm = am + bm

    def lg_psi(x):
        lx = jnp.log(x)
        r = 1.0 / x
        return _lgamma_big(x, lx, r), _digamma_big(lx, r)

    def lg(x):
        return _lgamma_big(x, jnp.log(x), 1.0 / x)

    lg_au, ps_au = lg_psi(au)
    lg_bu, ps_bu = lg_psi(bu)
    lg_am, ps_am = lg_psi(am)
    lg_bm, ps_bm = lg_psi(bm)
    lg_spu, ps_spu = lg_psi(spu)
    lg_spm, ps_spm = lg_psi(spm)

    t1x2 = 2.0 * (lg(c1m) + lg(c0m) - lg(sq))
    kl12 = (t1x2
            - lg_au - lg_bu + lg_spu
            - lg_am - lg_bm + lg_spm
            + (au - c1m) * ps_au + (bu - c0m) * ps_bu + (sq - spu) * ps_spu
            + (am - c1m) * ps_am + (bm - c0m) * ps_bm + (sq - spm) * ps_spm)

    t = jnp.abs((2.0 / jnp.pi) * _atan(0.5 * kl12))
    dist = jnp.dot(t, s_ref[...], preferred_element_type=jnp.float32)
    o_ref[...] = bu_ref[...] + bm_ref[...] - dist


def _tc_math(u128, m128, bu4, bm4, sel):
    nrows = _B * _D2 // 128
    blk = 512
    grid = (nrows // blk,)
    return pl.pallas_call(
        _math_body,
        grid=grid,
        in_specs=[
            pl.BlockSpec((blk, 128), lambda i: (i, 0)),
            pl.BlockSpec((blk, 128), lambda i: (i, 0)),
            pl.BlockSpec((blk, 4), lambda i: (i, 0)),
            pl.BlockSpec((blk, 4), lambda i: (i, 0)),
            pl.BlockSpec((128, 4), lambda i: (0, 0)),
        ],
        out_specs=pl.BlockSpec((blk, 4), lambda i: (i, 0)),
        out_shape=jax.ShapeDtypeStruct((nrows, 4), jnp.float32),
    )(u128, m128, bu4, bm4, sel)



@functools.partial(jax.jit, static_argnums=())
def kernel(x, Bu, Bm, u_table, m_table):
    users2d = x[:, 0].reshape(_NW * _NCH, _CH)
    movies2d = x[:, 1].reshape(_NW * _NCH, _CH)

    u_g, bu_g = _sc_gather(users2d, u_table, Bu)
    m_g, bm_g = _sc_gather(movies2d, m_table, Bm)

    u128 = u_g.reshape(_B * _D2 // 128, 128)
    m128 = m_g.reshape(_B * _D2 // 128, 128)
    bu4 = bu_g.reshape(_B // 4, 4)
    bm4 = bm_g.reshape(_B // 4, 4)

    lane = np.arange(128)
    sel = ((lane % 32 < 16)[:, None]
           & ((lane // 32)[:, None] == np.arange(4)[None, :])
           ).astype(np.float32)
    out4 = _tc_math(u128, m128, bu4, bm4, jnp.asarray(sel))
    return out4.reshape(_B)

# --- scband reference (transcript-rebuilt; emitter-appended) ---
"""Pipeline reference for scband-beta-recommendation-40793599377564 (READ-ONLY COPY).

The authoritative reference and input builder live on the scoring server;
editing this copy changes nothing except your own understanding.
"""

import jax, jax.numpy as jnp
import numpy as np
from jax.scipy.special import gammaln, digamma

N_USERS = 1000000
N_MOVIES = 1000000
EMBED_DIM = 16
BATCH = 16384
LB = 1.0
UB = 100.0


def setup_inputs(seed: int = 0) -> dict:
    key = jax.random.key(seed)
    k1, k2, k3, k4, k5 = jax.random.split(key, 5)
    x = jax.random.randint(k1, (BATCH, 2), 0, N_USERS)
    Bu = jax.random.normal(k2, (N_USERS,), dtype=jnp.float32)
    Bm = jax.random.normal(k3, (N_MOVIES,), dtype=jnp.float32)
    u_table = jax.random.uniform(k4, (N_USERS, 2 * EMBED_DIM), minval=LB, maxval=UB, dtype=jnp.float32)
    m_table = jax.random.uniform(k5, (N_MOVIES, 2 * EMBED_DIM), minval=LB, maxval=UB, dtype=jnp.float32)
    return {"x": x, "Bu": Bu, "Bm": Bm, "u_table": u_table, "m_table": m_table}


def _regularizer(e):
    # Regularizer(base_add=1, min_val=lb, max_val=ub)
    return jnp.clip(e + 1.0, LB, UB)


def _kl_beta(c1_p, c0_p, c1_q, c0_q):
    # torch.distributions.kl._kl_beta_beta, args are (concentration1, concentration0)
    sp = c1_p + c0_p
    sq = c1_q + c0_q
    t1 = gammaln(c1_q) + gammaln(c0_q) - gammaln(sq)
    t2 = gammaln(c1_p) + gammaln(c0_p) - gammaln(sp)
    t3 = (c1_p - c1_q) * digamma(c1_p)
    t4 = (c0_p - c0_q) * digamma(c0_p)
    t5 = (sq - sp) * digamma(sp)
    return t1 - t2 + t3 + t4 + t5


def reference(x, Bu, Bm, u_table, m_table):
    users = x[:, 0]
    movies = x[:, 1]
    u = jnp.take(u_table, users, axis=0)  # [B, 2d]
    m = jnp.take(m_table, movies, axis=0)
    Bu_g = jnp.take(Bu, users, axis=0)  # [B]
    Bm_g = jnp.take(Bm, movies, axis=0)
    u = jnp.where(jnp.isnan(u), 0.05, u)
    m = jnp.where(jnp.isnan(m), 0.05, m)
    ur = _regularizer(u)[:, :, None]  # [B, 2d, 1]
    mr = _regularizer(m)[:, :, None]
    alpha_u, beta_u = jnp.split(ur, 2, axis=1)  # [B, d, 1] each
    alpha_m, beta_m = jnp.split(mr, 2, axis=1)
    # u_dist = Beta(concentration1=alpha_u, concentration0=beta_u); same for m.
    # mean_dist = Beta(0.5*(conc0_u+conc0_m), 0.5*(conc1_u+conc1_m))
    #   -> concentration1 = 0.5*(beta_u+beta_m), concentration0 = 0.5*(alpha_u+alpha_m)
    # (faithful to the original code's argument order, which swaps alpha/beta)
    c1_mean = 0.5 * (beta_u + beta_m)
    c0_mean = 0.5 * (alpha_u + alpha_m)
    kl_1 = jnp.squeeze(_kl_beta(alpha_u, beta_u, c1_mean, c0_mean), axis=-1)  # [B, d]
    kl_2 = jnp.squeeze(_kl_beta(alpha_m, beta_m, c1_mean, c0_mean), axis=-1)
    distance = jnp.sum(jnp.abs(2.0 / jnp.pi * jnp.arctan((kl_1 + kl_2) * 0.5)), axis=-1)  # L1 norm over dim=-1
    output = Bu_g + Bm_g - distance
    return output

if __name__ == "__main__":
    import jax
    _d = setup_inputs()
    print(jax.jit(kernel)(*tuple(_d.values())))

</pallas_src>

<mosaic_0001>
#map = affine_map<(d0, d1) -> (0, 0)>
#map1 = affine_map<(d0, d1) -> (0)>
module attributes {stable_mosaic.version = 14 : i64} {
  func.func @_gather_body(%arg0: i32, %arg1: i32, %arg2: memref<128x128xi32, #tpu.memory_space<hbm>>, %arg3: memref<1000000x32xf32, #tpu.memory_space<hbm>>, %arg4: memref<1000000xf32, #tpu.memory_space<hbm>>, %arg5: memref<16384x32xf32, #tpu.memory_space<hbm>>, %arg6: memref<128x128xf32, #tpu.memory_space<hbm>>, %arg7: memref<4x128xi32, #tpu.memory_space<vmem>>, %arg8: memref<512x32xf32, #tpu.memory_space<vmem>>, %arg9: memref<4x128xf32, #tpu.memory_space<vmem>>, %arg10: memref<!tpu.dma_semaphore, #tpu.memory_space<semaphore_mem>>, %arg11: memref<!tpu.dma_semaphore, #tpu.memory_space<semaphore_mem>>) attributes {dimension_semantics = [#tpu.dimension_semantics<core_parallel>, #tpu.dimension_semantics<subcore_parallel>], iteration_bounds = array<i64: 2, 16>, scalar_prefetch = 0 : i64, scratch_operands = 5 : i64, tpu.core_type = #tpu.core_type<sc_vector_subcore>, window_params = [{transform_indices = #map}, {transform_indices = #map}, {transform_indices = #map1}, {transform_indices = #map}, {transform_indices = #map}]} {
    %mul3A = arith.constant 2 : i32
    %mul3A_0 = arith.muli %arg1, %mul3A : i32
    %add3A = arith.addi %mul3A_0, %arg0 : i32
    %mul3A_1 = arith.constant 4 : i32
    %mul3A_2 = arith.muli %add3A, %mul3A_1 : i32
    %mul3A_3 = arith.constant 512 : i32
    %mul3A_4 = arith.muli %add3A, %mul3A_3 : i32
    "tpu.region"() ({
      %run_scoped3A = tpu.sem_alloc : memref<!tpu.dma_semaphore, #tpu.memory_space<semaphore_mem>>
      %dma_start3A_163 = arith.constant 0 : i32
      %dma_start3A_164 = tpu.memref_slice %arg2[%mul3A_2, %dma_start3A_163] : memref<128x128xi32, #tpu.memory_space<hbm>> -> memref<4x128xi32, #tpu.memory_space<hbm>>
      %dma_start3A_165 = arith.constant 0 : i32
      %dma_start3A_166 = tpu.memref_slice %arg2[%mul3A_2, %dma_start3A_165] : memref<128x128xi32, #tpu.memory_space<hbm>> -> memref<4x128xi32, #tpu.memory_space<hbm>>
      tpu.enqueue_dma source(%dma_start3A_166 : memref<4x128xi32, #tpu.memory_space<hbm>>) target(%arg7 : memref<4x128xi32, #tpu.memory_space<vmem>>) target_semaphore(%run_scoped3A : memref<!tpu.dma_semaphore, #tpu.memory_space<semaphore_mem>>)
      %dma_wait3A_167 = arith.constant 0 : i32
      %dma_wait3A_168 = tpu.memref_slice %arg2[%mul3A_2, %dma_wait3A_167] : memref<128x128xi32, #tpu.memory_space<hbm>> -> memref<4x128xi32, #tpu.memory_space<hbm>>
      %dma_wait3A_169 = arith.constant 0 : i32
      %dma_wait3A_170 = tpu.memref_slice %arg2[%mul3A_2, %dma_wait3A_169] : memref<128x128xi32, #tpu.memory_space<hbm>> -> memref<4x128xi32, #tpu.memory_space<hbm>>
      tpu.wait_dma2 semaphore(%run_scoped3A : memref<!tpu.dma_semaphore, #tpu.memory_space<semaphore_mem>>) src(%dma_wait3A_170 : memref<4x128xi32, #tpu.memory_space<hbm>>) dst(%arg7 : memref<4x128xi32, #tpu.memory_space<vmem>>)
      tpu.yield
    }) : () -> ()
    %dma_start3A = arith.constant 0 : i32
    %dma_start3A_5 = arith.constant 0 : i32
    %dma_start3A_6 = arith.constant 0 : i32
    %dma_start3A_7 = tpu.memref_slice %arg8[%dma_start3A_5, %dma_start3A_6] : memref<512x32xf32, #tpu.memory_space<vmem>> -> memref<128x32xf32, #tpu.memory_space<vmem>>
    %dma_start3A_8 = arith.constant 0 : i32
    %dma_start3A_9 = tpu.memref_slice %arg7[%dma_start3A, %dma_start3A_8] : memref<4x128xi32, #tpu.memory_space<vmem>> -> memref<1x128xi32, #tpu.memory_space<vmem>>
    %dma_start3A_10 = tpu.memref_squeeze %dma_start3A_9 : memref<1x128xi32, #tpu.memory_space<vmem>> -> memref<128xi32, #tpu.memory_space<vmem>>
    %dma_start3A_11 = arith.constant 0 : i32
    %dma_start3A_12 = arith.constant 0 : i32
    %dma_start3A_13 = tpu.memref_slice %arg3[%dma_start3A_11, %dma_start3A_12] : memref<1000000x32xf32, #tpu.memory_space<hbm>> -> memref<1000000x32xf32, #tpu.memory_space<hbm>>
    tpu.enqueue_indirect_dma source(%dma_start3A_13 : memref<1000000x32xf32, #tpu.memory_space<hbm>>) target(%dma_start3A_7 : memref<128x32xf32, #tpu.memory_space<vmem>>) offsets(%dma_start3A_10 : memref<128xi32, #tpu.memory_space<vmem>>) semaphore(%arg10 : memref<!tpu.dma_semaphore, #tpu.memory_space<semaphore_mem>>)
    %dma_start3A_14 = arith.constant 0 : i32
    %dma_start3A_15 = arith.constant 0 : i32
    %dma_start3A_16 = arith.constant 0 : i32
    %dma_start3A_17 = tpu.memref_slice %arg9[%dma_start3A_15, %dma_start3A_16] : memref<4x128xf32, #tpu.memory_space<vmem>> -> memref<1x128xf32, #tpu.memory_space<vmem>>
    %dma_start3A_18 = tpu.memref_squeeze %dma_start3A_17 : memref<1x128xf32, #tpu.memory_space<vmem>> -> memref<128xf32, #tpu.memory_space<vmem>>
    %dma_start3A_19 = arith.constant 0 : i32
    %dma_start3A_20 = tpu.memref_slice %arg7[%dma_start3A_14, %dma_start3A_19] : memref<4x128xi32, #tpu.memory_space<vmem>> -> memref<1x128xi32, #tpu.memory_space<vmem>>
    %dma_start3A_21 = tpu.memref_squeeze %dma_start3A_20 : memref<1x128xi32, #tpu.memory_space<vmem>> -> memref<128xi32, #tpu.memory_space<vmem>>
    %dma_start3A_22 = arith.constant 0 : i32
    %dma_start3A_23 = tpu.memref_slice %arg4[%dma_start3A_22] : memref<1000000xf32, #tpu.memory_space<hbm>> -> memref<1000000xf32, #tpu.memory_space<hbm>>
    tpu.enqueue_indirect_dma source(%dma_start3A_23 : memref<1000000xf32, #tpu.memory_space<hbm>>) target(%dma_start3A_18 : memref<128xf32, #tpu.memory_space<vmem>>) offsets(%dma_start3A_21 : memref<128xi32, #tpu.memory_space<vmem>>) semaphore(%arg11 : memref<!tpu.dma_semaphore, #tpu.memory_space<semaphore_mem>>)
    %dma_start3A_24 = arith.constant 1 : i32
    %dma_start3A_25 = arith.constant 128 : i32
    %dma_start3A_26 = arith.constant 0 : i32
    %dma_start3A_27 = tpu.memref_slice %arg8[%dma_start3A_25, %dma_start3A_26] : memref<512x32xf32, #tpu.memory_space<vmem>> -> memref<128x32xf32, #tpu.memory_space<vmem>>
    %dma_start3A_28 = arith.constant 0 : i32
    %dma_start3A_29 = tpu.memref_slice %arg7[%dma_start3A_24, %dma_start3A_28] : memref<4x128xi32, #tpu.memory_space<vmem>> -> memref<1x128xi32, #tpu.memory_space<vmem>>
    %dma_start3A_30 = tpu.memref_squeeze %dma_start3A_29 : memref<1x128xi32, #tpu.memory_space<vmem>> -> memref<128xi32, #tpu.memory_space<vmem>>
    %dma_start3A_31 = arith.constant 0 : i32
    %dma_start3A_32 = arith.constant 0 : i32
    %dma_start3A_33 = tpu.memref_slice %arg3[%dma_start3A_31, %dma_start3A_32] : memref<1000000x32xf32, #tpu.memory_space<hbm>> -> memref<1000000x32xf32, #tpu.memory_space<hbm>>
    tpu.enqueue_indirect_dma source(%dma_start3A_33 : memref<1000000x32xf32, #tpu.memory_space<hbm>>) target(%dma_start3A_27 : memref<128x32xf32, #tpu.memory_space<vmem>>) offsets(%dma_start3A_30 : memref<128xi32, #tpu.memory_space<vmem>>) semaphore(%arg10 : memref<!tpu.dma_semaphore, #tpu.memory_space<semaphore_mem>>)
    %dma_start3A_34 = arith.constant 1 : i32
    %dma_start3A_35 = arith.constant 1 : i32
    %dma_start3A_36 = arith.constant 0 : i32
    %dma_start3A_37 = tpu.memref_slice %arg9[%dma_start3A_35, %dma_start3A_36] : memref<4x128xf32, #tpu.memory_space<vmem>> -> memref<1x128xf32, #tpu.memory_space<vmem>>
    %dma_start3A_38 = tpu.memref_squeeze %dma_start3A_37 : memref<1x128xf32, #tpu.memory_space<vmem>> -> memref<128xf32, #tpu.memory_space<vmem>>
    %dma_start3A_39 = arith.constant 0 : i32
    %dma_start3A_40 = tpu.memref_slice %arg7[%dma_start3A_34, %dma_start3A_39] : memref<4x128xi32, #tpu.memory_space<vmem>> -> memref<1x128xi32, #tpu.memory_space<vmem>>
    %dma_start3A_41 = tpu.memref_squeeze %dma_start3A_40 : memref<1x128xi32, #tpu.memory_space<vmem>> -> memref<128xi32, #tpu.memory_space<vmem>>
    %dma_start3A_42 = arith.constant 0 : i32
    %dma_start3A_43 = tpu.memref_slice %arg4[%dma_start3A_42] : memref<1000000xf32, #tpu.memory_space<hbm>> -> memref<1000000xf32, #tpu.memory_space<hbm>>
    tpu.enqueue_indirect_dma source(%dma_start3A_43 : memref<1000000xf32, #tpu.memory_space<hbm>>) target(%dma_start3A_38 : memref<128xf32, #tpu.memory_space<vmem>>) offsets(%dma_start3A_41 : memref<128xi32, #tpu.memory_space<vmem>>) semaphore(%arg11 : memref<!tpu.dma_semaphore, #tpu.memory_space<semaphore_mem>>)
    %dma_start3A_44 = arith.constant 2 : i32
    %dma_start3A_45 = arith.constant 256 : i32
    %dma_start3A_46 = arith.constant 0 : i32
    %dma_start3A_47 = tpu.memref_slice %arg8[%dma_start3A_45, %dma_start3A_46] : memref<512x32xf32, #tpu.memory_space<vmem>> -> memref<128x32xf32, #tpu.memory_space<vmem>>
    %dma_start3A_48 = arith.constant 0 : i32
    %dma_start3A_49 = tpu.memref_slice %arg7[%dma_start3A_44, %dma_start3A_48] : memref<4x128xi32, #tpu.memory_space<vmem>> -> memref<1x128xi32, #tpu.memory_space<vmem>>
    %dma_start3A_50 = tpu.memref_squeeze %dma_start3A_49 : memref<1x128xi32, #tpu.memory_space<vmem>> -> memref<128xi32, #tpu.memory_space<vmem>>
    %dma_start3A_51 = arith.constant 0 : i32
    %dma_start3A_52 = arith.constant 0 : i32
    %dma_start3A_53 = tpu.memref_slice %arg3[%dma_start3A_51, %dma_start3A_52] : memref<1000000x32xf32, #tpu.memory_space<hbm>> -> memref<1000000x32xf32, #tpu.memory_space<hbm>>
    tpu.enqueue_indirect_dma source(%dma_start3A_53 : memref<1000000x32xf32, #tpu.memory_space<hbm>>) target(%dma_start3A_47 : memref<128x32xf32, #tpu.memory_space<vmem>>) offsets(%dma_start3A_50 : memref<128xi32, #tpu.memory_space<vmem>>) semaphore(%arg10 : memref<!tpu.dma_semaphore, #tpu.memory_space<semaphore_mem>>)
    %dma_start3A_54 = arith.constant 2 : i32
    %dma_start3A_55 = arith.constant 2 : i32
    %dma_start3A_56 = arith.constant 0 : i32
    %dma_start3A_57 = tpu.memref_slice %arg9[%dma_start3A_55, %dma_start3A_56] : memref<4x128xf32, #tpu.memory_space<vmem>> -> memref<1x128xf32, #tpu.memory_space<vmem>>
    %dma_start3A_58 = tpu.memref_squeeze %dma_start3A_57 : memref<1x128xf32, #tpu.memory_space<vmem>> -> memref<128xf32, #tpu.memory_space<vmem>>
    %dma_start3A_59 = arith.constant 0 : i32
    %dma_start3A_60 = tpu.memref_slice %arg7[%dma_start3A_54, %dma_start3A_59] : memref<4x128xi32, #tpu.memory_space<vmem>> -> memref<1x128xi32, #tpu.memory_space<vmem>>
    %dma_start3A_61 = tpu.memref_squeeze %dma_start3A_60 : memref<1x128xi32, #tpu.memory_space<vmem>> -> memref<128xi32, #tpu.memory_space<vmem>>
    %dma_start3A_62 = arith.constant 0 : i32
    %dma_start3A_63 = tpu.memref_slice %arg4[%dma_start3A_62] : memref<1000000xf32, #tpu.memory_space<hbm>> -> memref<1000000xf32, #tpu.memory_space<hbm>>
    tpu.enqueue_indirect_dma source(%dma_start3A_63 : memref<1000000xf32, #tpu.memory_space<hbm>>) target(%dma_start3A_58 : memref<128xf32, #tpu.memory_space<vmem>>) offsets(%dma_start3A_61 : memref<128xi32, #tpu.memory_space<vmem>>) semaphore(%arg11 : memref<!tpu.dma_semaphore, #tpu.memory_space<semaphore_mem>>)
    %dma_start3A_64 = arith.constant 3 : i32
    %dma_start3A_65 = arith.constant 384 : i32
    %dma_start3A_66 = arith.constant 0 : i32
    %dma_start3A_67 = tpu.memref_slice %arg8[%dma_start3A_65, %dma_start3A_66] : memref<512x32xf32, #tpu.memory_space<vmem>> -> memref<128x32xf32, #tpu.memory_space<vmem>>
    %dma_start3A_68 = arith.constant 0 : i32
    %dma_start3A_69 = tpu.memref_slice %arg7[%dma_start3A_64, %dma_start3A_68] : memref<4x128xi32, #tpu.memory_space<vmem>> -> memref<1x128xi32, #tpu.memory_space<vmem>>
    %dma_start3A_70 = tpu.memref_squeeze %dma_start3A_69 : memref<1x128xi32, #tpu.memory_space<vmem>> -> memref<128xi32, #tpu.memory_space<vmem>>
    %dma_start3A_71 = arith.constant 0 : i32
    %dma_start3A_72 = arith.constant 0 : i32
    %dma_start3A_73 = tpu.memref_slice %arg3[%dma_start3A_71, %dma_start3A_72] : memref<1000000x32xf32, #tpu.memory_space<hbm>> -> memref<1000000x32xf32, #tpu.memory_space<hbm>>
    tpu.enqueue_indirect_dma source(%dma_start3A_73 : memref<1000000x32xf32, #tpu.memory_space<hbm>>) target(%dma_start3A_67 : memref<128x32xf32, #tpu.memory_space<vmem>>) offsets(%dma_start3A_70 : memref<128xi32, #tpu.memory_space<vmem>>) semaphore(%arg10 : memref<!tpu.dma_semaphore, #tpu.memory_space<semaphore_mem>>)
    %dma_start3A_74 = arith.constant 3 : i32
    %dma_start3A_75 = arith.constant 3 : i32
    %dma_start3A_76 = arith.constant 0 : i32
    %dma_start3A_77 = tpu.memref_slice %arg9[%dma_start3A_75, %dma_start3A_76] : memref<4x128xf32, #tpu.memory_space<vmem>> -> memref<1x128xf32, #tpu.memory_space<vmem>>
    %dma_start3A_78 = tpu.memref_squeeze %dma_start3A_77 : memref<1x128xf32, #tpu.memory_space<vmem>> -> memref<128xf32, #tpu.memory_space<vmem>>
    %dma_start3A_79 = arith.constant 0 : i32
    %dma_start3A_80 = tpu.memref_slice %arg7[%dma_start3A_74, %dma_start3A_79] : memref<4x128xi32, #tpu.memory_space<vmem>> -> memref<1x128xi32, #tpu.memory_space<vmem>>
    %dma_start3A_81 = tpu.memref_squeeze %dma_start3A_80 : memref<1x128xi32, #tpu.memory_space<vmem>> -> memref<128xi32, #tpu.memory_space<vmem>>
    %dma_start3A_82 = arith.constant 0 : i32
    %dma_start3A_83 = tpu.memref_slice %arg4[%dma_start3A_82] : memref<1000000xf32, #tpu.memory_space<hbm>> -> memref<1000000xf32, #tpu.memory_space<hbm>>
    tpu.enqueue_indirect_dma source(%dma_start3A_83 : memref<1000000xf32, #tpu.memory_space<hbm>>) target(%dma_start3A_78 : memref<128xf32, #tpu.memory_space<vmem>>) offsets(%dma_start3A_81 : memref<128xi32, #tpu.memory_space<vmem>>) semaphore(%arg11 : memref<!tpu.dma_semaphore, #tpu.memory_space<semaphore_mem>>)
    %dma_wait3A = arith.constant 0 : i32
    %dma_wait3A_84 = arith.constant 0 : i32
    %dma_wait3A_85 = arith.constant 0 : i32
    %dma_wait3A_86 = tpu.memref_slice %arg8[%dma_wait3A_84, %dma_wait3A_85] : memref<512x32xf32, #tpu.memory_space<vmem>> -> memref<128x32xf32, #tpu.memory_space<vmem>>
    %dma_wait3A_87 = arith.constant 0 : i32
    %dma_wait3A_88 = tpu.memref_slice %arg7[%dma_wait3A, %dma_wait3A_87] : memref<4x128xi32, #tpu.memory_space<vmem>> -> memref<1x128xi32, #tpu.memory_space<vmem>>
    %dma_wait3A_89 = tpu.memref_squeeze %dma_wait3A_88 : memref<1x128xi32, #tpu.memory_space<vmem>> -> memref<128xi32, #tpu.memory_space<vmem>>
    %dma_wait3A_90 = arith.constant 0 : i32
    %dma_wait3A_91 = arith.constant 0 : i32
    %dma_wait3A_92 = tpu.memref_slice %arg3[%dma_wait3A_90, %dma_wait3A_91] : memref<1000000x32xf32, #tpu.memory_space<hbm>> -> memref<1000000x32xf32, #tpu.memory_space<hbm>>
    tpu.wait_indirect_dma semaphore(%arg10 : memref<!tpu.dma_semaphore, #tpu.memory_space<semaphore_mem>>) src(%dma_wait3A_92 : memref<1000000x32xf32, #tpu.memory_space<hbm>>) dst(%dma_wait3A_86 : memref<128x32xf32, #tpu.memory_space<vmem>>)
    %dma_wait3A_93 = arith.constant 0 : i32
    %dma_wait3A_94 = arith.constant 0 : i32
    %dma_wait3A_95 = arith.constant 0 : i32
    %dma_wait3A_96 = tpu.memref_slice %arg9[%dma_wait3A_94, %dma_wait3A_95] : memref<4x128xf32, #tpu.memory_space<vmem>> -> memref<1x128xf32, #tpu.memory_space<vmem>>
    %dma_wait3A_97 = tpu.memref_squeeze %dma_wait3A_96 : memref<1x128xf32, #tpu.memory_space<vmem>> -> memref<128xf32, #tpu.memory_space<vmem>>
    %dma_wait3A_98 = arith.constant 0 : i32
    %dma_wait3A_99 = tpu.memref_slice %arg7[%dma_wait3A_93, %dma_wait3A_98] : memref<4x128xi32, #tpu.memory_space<vmem>> -> memref<1x128xi32, #tpu.memory_space<vmem>>
    %dma_wait3A_100 = tpu.memref_squeeze %dma_wait3A_99 : memref<1x128xi32, #tpu.memory_space<vmem>> -> memref<128xi32, #tpu.memory_space<vmem>>
    %dma_wait3A_101 = arith.constant 0 : i32
    %dma_wait3A_102 = tpu.memref_slice %arg4[%dma_wait3A_101] : memref<1000000xf32, #tpu.memory_space<hbm>> -> memref<1000000xf32, #tpu.memory_space<hbm>>
    tpu.wait_indirect_dma semaphore(%arg11 : memref<!tpu.dma_semaphore, #tpu.memory_space<semaphore_mem>>) src(%dma_wait3A_102 : memref<1000000xf32, #tpu.memory_space<hbm>>) dst(%dma_wait3A_97 : memref<128xf32, #tpu.memory_space<vmem>>)
    %dma_wait3A_103 = arith.constant 1 : i32
    %dma_wait3A_104 = arith.constant 128 : i32
    %dma_wait3A_105 = arith.constant 0 : i32
    %dma_wait3A_106 = tpu.memref_slice %arg8[%dma_wait3A_104, %dma_wait3A_105] : memref<512x32xf32, #tpu.memory_space<vmem>> -> memref<128x32xf32, #tpu.memory_space<vmem>>
    %dma_wait3A_107 = arith.constant 0 : i32
    %dma_wait3A_108 = tpu.memref_slice %arg7[%dma_wait3A_103, %dma_wait3A_107] : memref<4x128xi32, #tpu.memory_space<vmem>> -> memref<1x128xi32, #tpu.memory_space<vmem>>
    %dma_wait3A_109 = tpu.memref_squeeze %dma_wait3A_108 : memref<1x128xi32, #tpu.memory_space<vmem>> -> memref<128xi32, #tpu.memory_space<vmem>>
    %dma_wait3A_110 = arith.constant 0 : i32
    %dma_wait3A_111 = arith.constant 0 : i32
    %dma_wait3A_112 = tpu.memref_slice %arg3[%dma_wait3A_110, %dma_wait3A_111] : memref<1000000x32xf32, #tpu.memory_space<hbm>> -> memref<1000000x32xf32, #tpu.memory_space<hbm>>
    tpu.wait_indirect_dma semaphore(%arg10 : memref<!tpu.dma_semaphore, #tpu.memory_space<semaphore_mem>>) src(%dma_wait3A_112 : memref<1000000x32xf32, #tpu.memory_space<hbm>>) dst(%dma_wait3A_106 : memref<128x32xf32, #tpu.memory_space<vmem>>)
    %dma_wait3A_113 = arith.constant 1 : i32
    %dma_wait3A_114 = arith.constant 1 : i32
    %dma_wait3A_115 = arith.constant 0 : i32
    %dma_wait3A_116 = tpu.memref_slice %arg9[%dma_wait3A_114, %dma_wait3A_115] : memref<4x128xf32, #tpu.memory_space<vmem>> -> memref<1x128xf32, #tpu.memory_space<vmem>>
    %dma_wait3A_117 = tpu.memref_squeeze %dma_wait3A_116 : memref<1x128xf32, #tpu.memory_space<vmem>> -> memref<128xf32, #tpu.memory_space<vmem>>
    %dma_wait3A_118 = arith.constant 0 : i32
    %dma_wait3A_119 = tpu.memref_slice %arg7[%dma_wait3A_113, %dma_wait3A_118] : memref<4x128xi32, #tpu.memory_space<vmem>> -> memref<1x128xi32, #tpu.memory_space<vmem>>
    %dma_wait3A_120 = tpu.memref_squeeze %dma_wait3A_119 : memref<1x128xi32, #tpu.memory_space<vmem>> -> memref<128xi32, #tpu.memory_space<vmem>>
    %dma_wait3A_121 = arith.constant 0 : i32
    %dma_wait3A_122 = tpu.memref_slice %arg4[%dma_wait3A_121] : memref<1000000xf32, #tpu.memory_space<hbm>> -> memref<1000000xf32, #tpu.memory_space<hbm>>
    tpu.wait_indirect_dma semaphore(%arg11 : memref<!tpu.dma_semaphore, #tpu.memory_space<semaphore_mem>>) src(%dma_wait3A_122 : memref<1000000xf32, #tpu.memory_space<hbm>>) dst(%dma_wait3A_117 : memref<128xf32, #tpu.memory_space<vmem>>)
    %dma_wait3A_123 = arith.constant 2 : i32
    %dma_wait3A_124 = arith.constant 256 : i32
    %dma_wait3A_125 = arith.constant 0 : i32
    %dma_wait3A_126 = tpu.memref_slice %arg8[%dma_wait3A_124, %dma_wait3A_125] : memref<512x32xf32, #tpu.memory_space<vmem>> -> memref<128x32xf32, #tpu.memory_space<vmem>>
    %dma_wait3A_127 = arith.constant 0 : i32
    %dma_wait3A_128 = tpu.memref_slice %arg7[%dma_wait3A_123, %dma_wait3A_127] : memref<4x128xi32, #tpu.memory_space<vmem>> -> memref<1x128xi32, #tpu.memory_space<vmem>>
    %dma_wait3A_129 = tpu.memref_squeeze %dma_wait3A_128 : memref<1x128xi32, #tpu.memory_space<vmem>> -> memref<128xi32, #tpu.memory_space<vmem>>
    %dma_wait3A_130 = arith.constant 0 : i32
    %dma_wait3A_131 = arith.constant 0 : i32
    %dma_wait3A_132 = tpu.memref_slice %arg3[%dma_wait3A_130, %dma_wait3A_131] : memref<1000000x32xf32, #tpu.memory_space<hbm>> -> memref<1000000x32xf32, #tpu.memory_space<hbm>>
    tpu.wait_indirect_dma semaphore(%arg10 : memref<!tpu.dma_semaphore, #tpu.memory_space<semaphore_mem>>) src(%dma_wait3A_132 : memref<1000000x32xf32, #tpu.memory_space<hbm>>) dst(%dma_wait3A_126 : memref<128x32xf32, #tpu.memory_space<vmem>>)
    %dma_wait3A_133 = arith.constant 2 : i32
    %dma_wait3A_134 = arith.constant 2 : i32
    %dma_wait3A_135 = arith.constant 0 : i32
    %dma_wait3A_136 = tpu.memref_slice %arg9[%dma_wait3A_134, %dma_wait3A_135] : memref<4x128xf32, #tpu.memory_space<vmem>> -> memref<1x128xf32, #tpu.memory_space<vmem>>
    %dma_wait3A_137 = tpu.memref_squeeze %dma_wait3A_136 : memref<1x128xf32, #tpu.memory_space<vmem>> -> memref<128xf32, #tpu.memory_space<vmem>>
    %dma_wait3A_138 = arith.constant 0 : i32
    %dma_wait3A_139 = tpu.memref_slice %arg7[%dma_wait3A_133, %dma_wait3A_138] : memref<4x128xi32, #tpu.memory_space<vmem>> -> memref<1x128xi32, #tpu.memory_space<vmem>>
    %dma_wait3A_140 = tpu.memref_squeeze %dma_wait3A_139 : memref<1x128xi32, #tpu.memory_space<vmem>> -> memref<128xi32, #tpu.memory_space<vmem>>
    %dma_wait3A_141 = arith.constant 0 : i32
    %dma_wait3A_142 = tpu.memref_slice %arg4[%dma_wait3A_141] : memref<1000000xf32, #tpu.memory_space<hbm>> -> memref<1000000xf32, #tpu.memory_space<hbm>>
    tpu.wait_indirect_dma semaphore(%arg11 : memref<!tpu.dma_semaphore, #tpu.memory_space<semaphore_mem>>) src(%dma_wait3A_142 : memref<1000000xf32, #tpu.memory_space<hbm>>) dst(%dma_wait3A_137 : memref<128xf32, #tpu.memory_space<vmem>>)
    %dma_wait3A_143 = arith.constant 3 : i32
    %dma_wait3A_144 = arith.constant 384 : i32
    %dma_wait3A_145 = arith.constant 0 : i32
    %dma_wait3A_146 = tpu.memref_slice %arg8[%dma_wait3A_144, %dma_wait3A_145] : memref<512x32xf32, #tpu.memory_space<vmem>> -> memref<128x32xf32, #tpu.memory_space<vmem>>
    %dma_wait3A_147 = arith.constant 0 : i32
    %dma_wait3A_148 = tpu.memref_slice %arg7[%dma_wait3A_143, %dma_wait3A_147] : memref<4x128xi32, #tpu.memory_space<vmem>> -> memref<1x128xi32, #tpu.memory_space<vmem>>
    %dma_wait3A_149 = tpu.memref_squeeze %dma_wait3A_148 : memref<1x128xi32, #tpu.memory_space<vmem>> -> memref<128xi32, #tpu.memory_space<vmem>>
    %dma_wait3A_150 = arith.constant 0 : i32
    %dma_wait3A_151 = arith.constant 0 : i32
    %dma_wait3A_152 = tpu.memref_slice %arg3[%dma_wait3A_150, %dma_wait3A_151] : memref<1000000x32xf32, #tpu.memory_space<hbm>> -> memref<1000000x32xf32, #tpu.memory_space<hbm>>
    tpu.wait_indirect_dma semaphore(%arg10 : memref<!tpu.dma_semaphore, #tpu.memory_space<semaphore_mem>>) src(%dma_wait3A_152 : memref<1000000x32xf32, #tpu.memory_space<hbm>>) dst(%dma_wait3A_146 : memref<128x32xf32, #tpu.memory_space<vmem>>)
    %dma_wait3A_153 = arith.constant 3 : i32
    %dma_wait3A_154 = arith.constant 3 : i32
    %dma_wait3A_155 = arith.constant 0 : i32
    %dma_wait3A_156 = tpu.memref_slice %arg9[%dma_wait3A_154, %dma_wait3A_155] : memref<4x128xf32, #tpu.memory_space<vmem>> -> memref<1x128xf32, #tpu.memory_space<vmem>>
    %dma_wait3A_157 = tpu.memref_squeeze %dma_wait3A_156 : memref<1x128xf32, #tpu.memory_space<vmem>> -> memref<128xf32, #tpu.memory_space<vmem>>
    %dma_wait3A_158 = arith.constant 0 : i32
    %dma_wait3A_159 = tpu.memref_slice %arg7[%dma_wait3A_153, %dma_wait3A_158] : memref<4x128xi32, #tpu.memory_space<vmem>> -> memref<1x128xi32, #tpu.memory_space<vmem>>
    %dma_wait3A_160 = tpu.memref_squeeze %dma_wait3A_159 : memref<1x128xi32, #tpu.memory_space<vmem>> -> memref<128xi32, #tpu.memory_space<vmem>>
    %dma_wait3A_161 = arith.constant 0 : i32
    %dma_wait3A_162 = tpu.memref_slice %arg4[%dma_wait3A_161] : memref<1000000xf32, #tpu.memory_space<hbm>> -> memref<1000000xf32, #tpu.memory_space<hbm>>
    tpu.wait_indirect_dma semaphore(%arg11 : memref<!tpu.dma_semaphore, #tpu.memory_space<semaphore_mem>>) src(%dma_wait3A_162 : memref<1000000xf32, #tpu.memory_space<hbm>>) dst(%dma_wait3A_157 : memref<128xf32, #tpu.memory_space<vmem>>)
    "tpu.region"() ({
      %run_scoped3A = tpu.sem_alloc : memref<!tpu.dma_semaphore, #tpu.memory_space<semaphore_mem>>
      %dma_start3A_163 = arith.constant 0 : i32
      %dma_start3A_164 = tpu.memref_slice %arg5[%mul3A_4, %dma_start3A_163] : memref<16384x32xf32, #tpu.memory_space<hbm>> -> memref<512x32xf32, #tpu.memory_space<hbm>>
      %dma_start3A_165 = arith.constant 0 : i32
      %dma_start3A_166 = tpu.memref_slice %arg5[%mul3A_4, %dma_start3A_165] : memref<16384x32xf32, #tpu.memory_space<hbm>> -> memref<512x32xf32, #tpu.memory_space<hbm>>
      tpu.enqueue_dma source(%arg8 : memref<512x32xf32, #tpu.memory_space<vmem>>) target(%dma_start3A_166 : memref<512x32xf32, #tpu.memory_space<hbm>>) target_semaphore(%run_scoped3A : memref<!tpu.dma_semaphore, #tpu.memory_space<semaphore_mem>>)
      %dma_wait3A_167 = arith.constant 0 : i32
      %dma_wait3A_168 = tpu.memref_slice %arg5[%mul3A_4, %dma_wait3A_167] : memref<16384x32xf32, #tpu.memory_space<hbm>> -> memref<512x32xf32, #tpu.memory_space<hbm>>
      %dma_wait3A_169 = arith.constant 0 : i32
      %dma_wait3A_170 = tpu.memref_slice %arg5[%mul3A_4, %dma_wait3A_169] : memref<16384x32xf32, #tpu.memory_space<hbm>> -> memref<512x32xf32, #tpu.memory_space<hbm>>
      tpu.wait_dma2 semaphore(%run_scoped3A : memref<!tpu.dma_semaphore, #tpu.memory_space<semaphore_mem>>) src(%arg8 : memref<512x32xf32, #tpu.memory_space<vmem>>) dst(%dma_wait3A_170 : memref<512x32xf32, #tpu.memory_space<hbm>>)
      tpu.yield
    }) : () -> ()
    "tpu.region"() ({
      %run_scoped3A = tpu.sem_alloc : memref<!tpu.dma_semaphore, #tpu.memory_space<semaphore_mem>>
      %dma_start3A_163 = arith.constant 0 : i32
      %dma_start3A_164 = tpu.memref_slice %arg6[%mul3A_2, %dma_start3A_163] : memref<128x128xf32, #tpu.memory_space<hbm>> -> memref<4x128xf32, #tpu.memory_space<hbm>>
      %dma_start3A_165 = arith.constant 0 : i32
      %dma_start3A_166 = tpu.memref_slice %arg6[%mul3A_2, %dma_start3A_165] : memref<128x128xf32, #tpu.memory_space<hbm>> -> memref<4x128xf32, #tpu.memory_space<hbm>>
      tpu.enqueue_dma source(%arg9 : memref<4x128xf32, #tpu.memory_space<vmem>>) target(%dma_start3A_166 : memref<4x128xf32, #tpu.memory_space<hbm>>) target_semaphore(%run_scoped3A : memref<!tpu.dma_semaphore, #tpu.memory_space<semaphore_mem>>)
      %dma_wait3A_167 = arith.constant 0 : i32
      %dma_wait3A_168 = tpu.memref_slice %arg6[%mul3A_2, %dma_wait3A_167] : memref<128x128xf32, #tpu.memory_space<hbm>> -> memref<4x128xf32, #tpu.memory_space<hbm>>
      %dma_wait3A_169 = arith.constant 0 : i32
      %dma_wait3A_170 = tpu.memref_slice %arg6[%mul3A_2, %dma_wait3A_169] : memref<128x128xf32, #tpu.memory_space<hbm>> -> memref<4x128xf32, #tpu.memory_space<hbm>>
      tpu.wait_dma2 semaphore(%run_scoped3A : memref<!tpu.dma_semaphore, #tpu.memory_space<semaphore_mem>>) src(%arg9 : memref<4x128xf32, #tpu.memory_space<vmem>>) dst(%dma_wait3A_170 : memref<4x128xf32, #tpu.memory_space<hbm>>)
      tpu.yield
    }) : () -> ()
    return
  }
}

#map = affine_map<(d0, d1) -> (0, 0)>
#map1 = affine_map<(d0, d1) -> (0)>
module attributes {stable_mosaic.version = 14 : i64} {
  func.func @_gather_body(%arg0: i32, %arg1: i32, %arg2: memref<128x128xi32, #tpu.memory_space<hbm>>, %arg3: memref<1000000x32xf32, #tpu.memory_space<hbm>>, %arg4: memref<1000000xf32, #tpu.memory_space<hbm>>, %arg5: memref<16384x32xf32, #tpu.memory_space<hbm>>, %arg6: memref<128x128xf32, #tpu.memory_space<hbm>>, %arg7: memref<4x128xi32, #tpu.memory_space<vmem>>, %arg8: memref<512x32xf32, #tpu.memory_space<vmem>>, %arg9: memref<4x128xf32, #tpu.memory_space<vmem>>, %arg10: memref<!tpu.dma_semaphore, #tpu.memory_space<semaphore_mem>>, %arg11: memref<!tpu.dma_semaphore, #tpu.memory_space<semaphore_mem>>) attributes {dimension_semantics = [#tpu.dimension_semantics<core_parallel>, #tpu.dimension_semantics<subcore_parallel>], iteration_bounds = array<i64: 2, 16>, scalar_prefetch = 0 : i64, scratch_operands = 5 : i64, tpu.core_type = #tpu.core_type<sc_vector_subcore>, window_params = [{transform_indices = #map}, {transform_indices = #map}, {transform_indices = #map1}, {transform_indices = #map}, {transform_indices = #map}]} {
    %mul3A = arith.constant 2 : i32
    %mul3A_0 = arith.muli %arg1, %mul3A : i32
    %add3A = arith.addi %mul3A_0, %arg0 : i32
    %mul3A_1 = arith.constant 4 : i32
    %mul3A_2 = arith.muli %add3A, %mul3A_1 : i32
    %mul3A_3 = arith.constant 512 : i32
    %mul3A_4 = arith.muli %add3A, %mul3A_3 : i32
    "tpu.region"() ({
      %run_scoped3A = tpu.sem_alloc : memref<!tpu.dma_semaphore, #tpu.memory_space<semaphore_mem>>
      %dma_start3A_163 = arith.constant 0 : i32
      %dma_start3A_164 = tpu.memref_slice %arg2[%mul3A_2, %dma_start3A_163] : memref<128x128xi32, #tpu.memory_space<hbm>> -> memref<4x128xi32, #tpu.memory_space<hbm>>
      %dma_start3A_165 = arith.constant 0 : i32
      %dma_start3A_166 = tpu.memref_slice %arg2[%mul3A_2, %dma_start3A_165] : memref<128x128xi32, #tpu.memory_space<hbm>> -> memref<4x128xi32, #tpu.memory_space<hbm>>
      tpu.enqueue_dma source(%dma_start3A_166 : memref<4x128xi32, #tpu.memory_space<hbm>>) target(%arg7 : memref<4x128xi32, #tpu.memory_space<vmem>>) target_semaphore(%run_scoped3A : memref<!tpu.dma_semaphore, #tpu.memory_space<semaphore_mem>>)
      %dma_wait3A_167 = arith.constant 0 : i32
      %dma_wait3A_168 = tpu.memref_slice %arg2[%mul3A_2, %dma_wait3A_167] : memref<128x128xi32, #tpu.memory_space<hbm>> -> memref<4x128xi32, #tpu.memory_space<hbm>>
      %dma_wait3A_169 = arith.constant 0 : i32
      %dma_wait3A_170 = tpu.memref_slice %arg2[%mul3A_2, %dma_wait3A_169] : memref<128x128xi32, #tpu.memory_space<hbm>> -> memref<4x128xi32, #tpu.memory_space<hbm>>
      tpu.wait_dma2 semaphore(%run_scoped3A : memref<!tpu.dma_semaphore, #tpu.memory_space<semaphore_mem>>) src(%dma_wait3A_170 : memref<4x128xi32, #tpu.memory_space<hbm>>) dst(%arg7 : memref<4x128xi32, #tpu.memory_space<vmem>>)
      tpu.yield
    }) : () -> ()
    %dma_start3A = arith.constant 0 : i32
    %dma_start3A_5 = arith.constant 0 : i32
    %dma_start3A_6 = arith.constant 0 : i32
    %dma_start3A_7 = tpu.memref_slice %arg8[%dma_start3A_5, %dma_start3A_6] : memref<512x32xf32, #tpu.memory_space<vmem>> -> memref<128x32xf32, #tpu.memory_space<vmem>>
    %dma_start3A_8 = arith.constant 0 : i32
    %dma_start3A_9 = tpu.memref_slice %arg7[%dma_start3A, %dma_start3A_8] : memref<4x128xi32, #tpu.memory_space<vmem>> -> memref<1x128xi32, #tpu.memory_space<vmem>>
    %dma_start3A_10 = tpu.memref_squeeze %dma_start3A_9 : memref<1x128xi32, #tpu.memory_space<vmem>> -> memref<128xi32, #tpu.memory_space<vmem>>
    %dma_start3A_11 = arith.constant 0 : i32
    %dma_start3A_12 = arith.constant 0 : i32
    %dma_start3A_13 = tpu.memref_slice %arg3[%dma_start3A_11, %dma_start3A_12] : memref<1000000x32xf32, #tpu.memory_space<hbm>> -> memref<1000000x32xf32, #tpu.memory_space<hbm>>
    tpu.enqueue_indirect_dma source(%dma_start3A_13 : memref<1000000x32xf32, #tpu.memory_space<hbm>>) target(%dma_start3A_7 : memref<128x32xf32, #tpu.memory_space<vmem>>) offsets(%dma_start3A_10 : memref<128xi32, #tpu.memory_space<vmem>>) semaphore(%arg10 : memref<!tpu.dma_semaphore, #tpu.memory_space<semaphore_mem>>)
    %dma_start3A_14 = arith.constant 0 : i32
    %dma_start3A_15 = arith.constant 0 : i32
    %dma_start3A_16 = arith.constant 0 : i32
    %dma_start3A_17 = tpu.memref_slice %arg9[%dma_start3A_15, %dma_start3A_16] : memref<4x128xf32, #tpu.memory_space<vmem>> -> memref<1x128xf32, #tpu.memory_space<vmem>>
    %dma_start3A_18 = tpu.memref_squeeze %dma_start3A_17 : memref<1x128xf32, #tpu.memory_space<vmem>> -> memref<128xf32, #tpu.memory_space<vmem>>
    %dma_start3A_19 = arith.constant 0 : i32
    %dma_start3A_20 = tpu.memref_slice %arg7[%dma_start3A_14, %dma_start3A_19] : memref<4x128xi32, #tpu.memory_space<vmem>> -> memref<1x128xi32, #tpu.memory_space<vmem>>
    %dma_start3A_21 = tpu.memref_squeeze %dma_start3A_20 : memref<1x128xi32, #tpu.memory_space<vmem>> -> memref<128xi32, #tpu.memory_space<vmem>>
    %dma_start3A_22 = arith.constant 0 : i32
    %dma_start3A_23 = tpu.memref_slice %arg4[%dma_start3A_22] : memref<1000000xf32, #tpu.memory_space<hbm>> -> memref<1000000xf32, #tpu.memory_space<hbm>>
    tpu.enqueue_indirect_dma source(%dma_start3A_23 : memref<1000000xf32, #tpu.memory_space<hbm>>) target(%dma_start3A_18 : memref<128xf32, #tpu.memory_space<vmem>>) offsets(%dma_start3A_21 : memref<128xi32, #tpu.memory_space<vmem>>) semaphore(%arg11 : memref<!tpu.dma_semaphore, #tpu.memory_space<semaphore_mem>>)
    %dma_start3A_24 = arith.constant 1 : i32
    %dma_start3A_25 = arith.constant 128 : i32
    %dma_start3A_26 = arith.constant 0 : i32
    %dma_start3A_27 = tpu.memref_slice %arg8[%dma_start3A_25, %dma_start3A_26] : memref<512x32xf32, #tpu.memory_space<vmem>> -> memref<128x32xf32, #tpu.memory_space<vmem>>
    %dma_start3A_28 = arith.constant 0 : i32
    %dma_start3A_29 = tpu.memref_slice %arg7[%dma_start3A_24, %dma_start3A_28] : memref<4x128xi32, #tpu.memory_space<vmem>> -> memref<1x128xi32, #tpu.memory_space<vmem>>
    %dma_start3A_30 = tpu.memref_squeeze %dma_start3A_29 : memref<1x128xi32, #tpu.memory_space<vmem>> -> memref<128xi32, #tpu.memory_space<vmem>>
    %dma_start3A_31 = arith.constant 0 : i32
    %dma_start3A_32 = arith.constant 0 : i32
    %dma_start3A_33 = tpu.memref_slice %arg3[%dma_start3A_31, %dma_start3A_32] : memref<1000000x32xf32, #tpu.memory_space<hbm>> -> memref<1000000x32xf32, #tpu.memory_space<hbm>>
    tpu.enqueue_indirect_dma source(%dma_start3A_33 : memref<1000000x32xf32, #tpu.memory_space<hbm>>) target(%dma_start3A_27 : memref<128x32xf32, #tpu.memory_space<vmem>>) offsets(%dma_start3A_30 : memref<128xi32, #tpu.memory_space<vmem>>) semaphore(%arg10 : memref<!tpu.dma_semaphore, #tpu.memory_space<semaphore_mem>>)
    %dma_start3A_34 = arith.constant 1 : i32
    %dma_start3A_35 = arith.constant 1 : i32
    %dma_start3A_36 = arith.constant 0 : i32
    %dma_start3A_37 = tpu.memref_slice %arg9[%dma_start3A_35, %dma_start3A_36] : memref<4x128xf32, #tpu.memory_space<vmem>> -> memref<1x128xf32, #tpu.memory_space<vmem>>
    %dma_start3A_38 = tpu.memref_squeeze %dma_start3A_37 : memref<1x128xf32, #tpu.memory_space<vmem>> -> memref<128xf32, #tpu.memory_space<vmem>>
    %dma_start3A_39 = arith.constant 0 : i32
    %dma_start3A_40 = tpu.memref_slice %arg7[%dma_start3A_34, %dma_start3A_39] : memref<4x128xi32, #tpu.memory_space<vmem>> -> memref<1x128xi32, #tpu.memory_space<vmem>>
    %dma_start3A_41 = tpu.memref_squeeze %dma_start3A_40 : memref<1x128xi32, #tpu.memory_space<vmem>> -> memref<128xi32, #tpu.memory_space<vmem>>
    %dma_start3A_42 = arith.constant 0 : i32
    %dma_start3A_43 = tpu.memref_slice %arg4[%dma_start3A_42] : memref<1000000xf32, #tpu.memory_space<hbm>> -> memref<1000000xf32, #tpu.memory_space<hbm>>
    tpu.enqueue_indirect_dma source(%dma_start3A_43 : memref<1000000xf32, #tpu.memory_space<hbm>>) target(%dma_start3A_38 : memref<128xf32, #tpu.memory_space<vmem>>) offsets(%dma_start3A_41 : memref<128xi32, #tpu.memory_space<vmem>>) semaphore(%arg11 : memref<!tpu.dma_semaphore, #tpu.memory_space<semaphore_mem>>)
    %dma_start3A_44 = arith.constant 2 : i32
    %dma_start3A_45 = arith.constant 256 : i32
    %dma_start3A_46 = arith.constant 0 : i32
    %dma_start3A_47 = tpu.memref_slice %arg8[%dma_start3A_45, %dma_start3A_46] : memref<512x32xf32, #tpu.memory_space<vmem>> -> memref<128x32xf32, #tpu.memory_space<vmem>>
    %dma_start3A_48 = arith.constant 0 : i32
    %dma_start3A_49 = tpu.memref_slice %arg7[%dma_start3A_44, %dma_start3A_48] : memref<4x128xi32, #tpu.memory_space<vmem>> -> memref<1x128xi32, #tpu.memory_space<vmem>>
    %dma_start3A_50 = tpu.memref_squeeze %dma_start3A_49 : memref<1x128xi32, #tpu.memory_space<vmem>> -> memref<128xi32, #tpu.memory_space<vmem>>
    %dma_start3A_51 = arith.constant 0 : i32
    %dma_start3A_52 = arith.constant 0 : i32
    %dma_start3A_53 = tpu.memref_slice %arg3[%dma_start3A_51, %dma_start3A_52] : memref<1000000x32xf32, #tpu.memory_space<hbm>> -> memref<1000000x32xf32, #tpu.memory_space<hbm>>
    tpu.enqueue_indirect_dma source(%dma_start3A_53 : memref<1000000x32xf32, #tpu.memory_space<hbm>>) target(%dma_start3A_47 : memref<128x32xf32, #tpu.memory_space<vmem>>) offsets(%dma_start3A_50 : memref<128xi32, #tpu.memory_space<vmem>>) semaphore(%arg10 : memref<!tpu.dma_semaphore, #tpu.memory_space<semaphore_mem>>)
    %dma_start3A_54 = arith.constant 2 : i32
    %dma_start3A_55 = arith.constant 2 : i32
    %dma_start3A_56 = arith.constant 0 : i32
    %dma_start3A_57 = tpu.memref_slice %arg9[%dma_start3A_55, %dma_start3A_56] : memref<4x128xf32, #tpu.memory_space<vmem>> -> memref<1x128xf32, #tpu.memory_space<vmem>>
    %dma_start3A_58 = tpu.memref_squeeze %dma_start3A_57 : memref<1x128xf32, #tpu.memory_space<vmem>> -> memref<128xf32, #tpu.memory_space<vmem>>
    %dma_start3A_59 = arith.constant 0 : i32
    %dma_start3A_60 = tpu.memref_slice %arg7[%dma_start3A_54, %dma_start3A_59] : memref<4x128xi32, #tpu.memory_space<vmem>> -> memref<1x128xi32, #tpu.memory_space<vmem>>
    %dma_start3A_61 = tpu.memref_squeeze %dma_start3A_60 : memref<1x128xi32, #tpu.memory_space<vmem>> -> memref<128xi32, #tpu.memory_space<vmem>>
    %dma_start3A_62 = arith.constant 0 : i32
    %dma_start3A_63 = tpu.memref_slice %arg4[%dma_start3A_62] : memref<1000000xf32, #tpu.memory_space<hbm>> -> memref<1000000xf32, #tpu.memory_space<hbm>>
    tpu.enqueue_indirect_dma source(%dma_start3A_63 : memref<1000000xf32, #tpu.memory_space<hbm>>) target(%dma_start3A_58 : memref<128xf32, #tpu.memory_space<vmem>>) offsets(%dma_start3A_61 : memref<128xi32, #tpu.memory_space<vmem>>) semaphore(%arg11 : memref<!tpu.dma_semaphore, #tpu.memory_space<semaphore_mem>>)
    %dma_start3A_64 = arith.constant 3 : i32
    %dma_start3A_65 = arith.constant 384 : i32
    %dma_start3A_66 = arith.constant 0 : i32
    %dma_start3A_67 = tpu.memref_slice %arg8[%dma_start3A_65, %dma_start3A_66] : memref<512x32xf32, #tpu.memory_space<vmem>> -> memref<128x32xf32, #tpu.memory_space<vmem>>
    %dma_start3A_68 = arith.constant 0 : i32
    %dma_start3A_69 = tpu.memref_slice %arg7[%dma_start3A_64, %dma_start3A_68] : memref<4x128xi32, #tpu.memory_space<vmem>> -> memref<1x128xi32, #tpu.memory_space<vmem>>
    %dma_start3A_70 = tpu.memref_squeeze %dma_start3A_69 : memref<1x128xi32, #tpu.memory_space<vmem>> -> memref<128xi32, #tpu.memory_space<vmem>>
    %dma_start3A_71 = arith.constant 0 : i32
    %dma_start3A_72 = arith.constant 0 : i32
    %dma_start3A_73 = tpu.memref_slice %arg3[%dma_start3A_71, %dma_start3A_72] : memref<1000000x32xf32, #tpu.memory_space<hbm>> -> memref<1000000x32xf32, #tpu.memory_space<hbm>>
    tpu.enqueue_indirect_dma source(%dma_start3A_73 : memref<1000000x32xf32, #tpu.memory_space<hbm>>) target(%dma_start3A_67 : memref<128x32xf32, #tpu.memory_space<vmem>>) offsets(%dma_start3A_70 : memref<128xi32, #tpu.memory_space<vmem>>) semaphore(%arg10 : memref<!tpu.dma_semaphore, #tpu.memory_space<semaphore_mem>>)
    %dma_start3A_74 = arith.constant 3 : i32
    %dma_start3A_75 = arith.constant 3 : i32
    %dma_start3A_76 = arith.constant 0 : i32
    %dma_start3A_77 = tpu.memref_slice %arg9[%dma_start3A_75, %dma_start3A_76] : memref<4x128xf32, #tpu.memory_space<vmem>> -> memref<1x128xf32, #tpu.memory_space<vmem>>
    %dma_start3A_78 = tpu.memref_squeeze %dma_start3A_77 : memref<1x128xf32, #tpu.memory_space<vmem>> -> memref<128xf32, #tpu.memory_space<vmem>>
    %dma_start3A_79 = arith.constant 0 : i32
    %dma_start3A_80 = tpu.memref_slice %arg7[%dma_start3A_74, %dma_start3A_79] : memref<4x128xi32, #tpu.memory_space<vmem>> -> memref<1x128xi32, #tpu.memory_space<vmem>>
    %dma_start3A_81 = tpu.memref_squeeze %dma_start3A_80 : memref<1x128xi32, #tpu.memory_space<vmem>> -> memref<128xi32, #tpu.memory_space<vmem>>
    %dma_start3A_82 = arith.constant 0 : i32
    %dma_start3A_83 = tpu.memref_slice %arg4[%dma_start3A_82] : memref<1000000xf32, #tpu.memory_space<hbm>> -> memref<1000000xf32, #tpu.memory_space<hbm>>
    tpu.enqueue_indirect_dma source(%dma_start3A_83 : memref<1000000xf32, #tpu.memory_space<hbm>>) target(%dma_start3A_78 : memref<128xf32, #tpu.memory_space<vmem>>) offsets(%dma_start3A_81 : memref<128xi32, #tpu.memory_space<vmem>>) semaphore(%arg11 : memref<!tpu.dma_semaphore, #tpu.memory_space<semaphore_mem>>)
    %dma_wait3A = arith.constant 0 : i32
    %dma_wait3A_84 = arith.constant 0 : i32
    %dma_wait3A_85 = arith.constant 0 : i32
    %dma_wait3A_86 = tpu.memref_slice %arg8[%dma_wait3A_84, %dma_wait3A_85] : memref<512x32xf32, #tpu.memory_space<vmem>> -> memref<128x32xf32, #tpu.memory_space<vmem>>
    %dma_wait3A_87 = arith.constant 0 : i32
    %dma_wait3A_88 = tpu.memref_slice %arg7[%dma_wait3A, %dma_wait3A_87] : memref<4x128xi32, #tpu.memory_space<vmem>> -> memref<1x128xi32, #tpu.memory_space<vmem>>
    %dma_wait3A_89 = tpu.memref_squeeze %dma_wait3A_88 : memref<1x128xi32, #tpu.memory_space<vmem>> -> memref<128xi32, #tpu.memory_space<vmem>>
    %dma_wait3A_90 = arith.constant 0 : i32
    %dma_wait3A_91 = arith.constant 0 : i32
    %dma_wait3A_92 = tpu.memref_slice %arg3[%dma_wait3A_90, %dma_wait3A_91] : memref<1000000x32xf32, #tpu.memory_space<hbm>> -> memref<1000000x32xf32, #tpu.memory_space<hbm>>
    tpu.wait_indirect_dma semaphore(%arg10 : memref<!tpu.dma_semaphore, #tpu.memory_space<semaphore_mem>>) src(%dma_wait3A_92 : memref<1000000x32xf32, #tpu.memory_space<hbm>>) dst(%dma_wait3A_86 : memref<128x32xf32, #tpu.memory_space<vmem>>)
    %dma_wait3A_93 = arith.constant 0 : i32
    %dma_wait3A_94 = arith.constant 0 : i32
    %dma_wait3A_95 = arith.constant 0 : i32
    %dma_wait3A_96 = tpu.memref_slice %arg9[%dma_wait3A_94, %dma_wait3A_95] : memref<4x128xf32, #tpu.memory_space<vmem>> -> memref<1x128xf32, #tpu.memory_space<vmem>>
    %dma_wait3A_97 = tpu.memref_squeeze %dma_wait3A_96 : memref<1x128xf32, #tpu.memory_space<vmem>> -> memref<128xf32, #tpu.memory_space<vmem>>
    %dma_wait3A_98 = arith.constant 0 : i32
    %dma_wait3A_99 = tpu.memref_slice %arg7[%dma_wait3A_93, %dma_wait3A_98] : memref<4x128xi32, #tpu.memory_space<vmem>> -> memref<1x128xi32, #tpu.memory_space<vmem>>
    %dma_wait3A_100 = tpu.memref_squeeze %dma_wait3A_99 : memref<1x128xi32, #tpu.memory_space<vmem>> -> memref<128xi32, #tpu.memory_space<vmem>>
    %dma_wait3A_101 = arith.constant 0 : i32
    %dma_wait3A_102 = tpu.memref_slice %arg4[%dma_wait3A_101] : memref<1000000xf32, #tpu.memory_space<hbm>> -> memref<1000000xf32, #tpu.memory_space<hbm>>
    tpu.wait_indirect_dma semaphore(%arg11 : memref<!tpu.dma_semaphore, #tpu.memory_space<semaphore_mem>>) src(%dma_wait3A_102 : memref<1000000xf32, #tpu.memory_space<hbm>>) dst(%dma_wait3A_97 : memref<128xf32, #tpu.memory_space<vmem>>)
    %dma_wait3A_103 = arith.constant 1 : i32
    %dma_wait3A_104 = arith.constant 128 : i32
    %dma_wait3A_105 = arith.constant 0 : i32
    %dma_wait3A_106 = tpu.memref_slice %arg8[%dma_wait3A_104, %dma_wait3A_105] : memref<512x32xf32, #tpu.memory_space<vmem>> -> memref<128x32xf32, #tpu.memory_space<vmem>>
    %dma_wait3A_107 = arith.constant 0 : i32
    %dma_wait3A_108 = tpu.memref_slice %arg7[%dma_wait3A_103, %dma_wait3A_107] : memref<4x128xi32, #tpu.memory_space<vmem>> -> memref<1x128xi32, #tpu.memory_space<vmem>>
    %dma_wait3A_109 = tpu.memref_squeeze %dma_wait3A_108 : memref<1x128xi32, #tpu.memory_space<vmem>> -> memref<128xi32, #tpu.memory_space<vmem>>
    %dma_wait3A_110 = arith.constant 0 : i32
    %dma_wait3A_111 = arith.constant 0 : i32
    %dma_wait3A_112 = tpu.memref_slice %arg3[%dma_wait3A_110, %dma_wait3A_111] : memref<1000000x32xf32, #tpu.memory_space<hbm>> -> memref<1000000x32xf32, #tpu.memory_space<hbm>>
    tpu.wait_indirect_dma semaphore(%arg10 : memref<!tpu.dma_semaphore, #tpu.memory_space<semaphore_mem>>) src(%dma_wait3A_112 : memref<1000000x32xf32, #tpu.memory_space<hbm>>) dst(%dma_wait3A_106 : memref<128x32xf32, #tpu.memory_space<vmem>>)
    %dma_wait3A_113 = arith.constant 1 : i32
    %dma_wait3A_114 = arith.constant 1 : i32
    %dma_wait3A_115 = arith.constant 0 : i32
    %dma_wait3A_116 = tpu.memref_slice %arg9[%dma_wait3A_114, %dma_wait3A_115] : memref<4x128xf32, #tpu.memory_space<vmem>> -> memref<1x128xf32, #tpu.memory_space<vmem>>
    %dma_wait3A_117 = tpu.memref_squeeze %dma_wait3A_116 : memref<1x128xf32, #tpu.memory_space<vmem>> -> memref<128xf32, #tpu.memory_space<vmem>>
    %dma_wait3A_118 = arith.constant 0 : i32
    %dma_wait3A_119 = tpu.memref_slice %arg7[%dma_wait3A_113, %dma_wait3A_118] : memref<4x128xi32, #tpu.memory_space<vmem>> -> memref<1x128xi32, #tpu.memory_space<vmem>>
    %dma_wait3A_120 = tpu.memref_squeeze %dma_wait3A_119 : memref<1x128xi32, #tpu.memory_space<vmem>> -> memref<128xi32, #tpu.memory_space<vmem>>
    %dma_wait3A_121 = arith.constant 0 : i32
    %dma_wait3A_122 = tpu.memref_slice %arg4[%dma_wait3A_121] : memref<1000000xf32, #tpu.memory_space<hbm>> -> memref<1000000xf32, #tpu.memory_space<hbm>>
    tpu.wait_indirect_dma semaphore(%arg11 : memref<!tpu.dma_semaphore, #tpu.memory_space<semaphore_mem>>) src(%dma_wait3A_122 : memref<1000000xf32, #tpu.memory_space<hbm>>) dst(%dma_wait3A_117 : memref<128xf32, #tpu.memory_space<vmem>>)
    %dma_wait3A_123 = arith.constant 2 : i32
    %dma_wait3A_124 = arith.constant 256 : i32
    %dma_wait3A_125 = arith.constant 0 : i32
    %dma_wait3A_126 = tpu.memref_slice %arg8[%dma_wait3A_124, %dma_wait3A_125] : memref<512x32xf32, #tpu.memory_space<vmem>> -> memref<128x32xf32, #tpu.memory_space<vmem>>
    %dma_wait3A_127 = arith.constant 0 : i32
    %dma_wait3A_128 = tpu.memref_slice %arg7[%dma_wait3A_123, %dma_wait3A_127] : memref<4x128xi32, #tpu.memory_space<vmem>> -> memref<1x128xi32, #tpu.memory_space<vmem>>
    %dma_wait3A_129 = tpu.memref_squeeze %dma_wait3A_128 : memref<1x128xi32, #tpu.memory_space<vmem>> -> memref<128xi32, #tpu.memory_space<vmem>>
    %dma_wait3A_130 = arith.constant 0 : i32
    %dma_wait3A_131 = arith.constant 0 : i32
    %dma_wait3A_132 = tpu.memref_slice %arg3[%dma_wait3A_130, %dma_wait3A_131] : memref<1000000x32xf32, #tpu.memory_space<hbm>> -> memref<1000000x32xf32, #tpu.memory_space<hbm>>
    tpu.wait_indirect_dma semaphore(%arg10 : memref<!tpu.dma_semaphore, #tpu.memory_space<semaphore_mem>>) src(%dma_wait3A_132 : memref<1000000x32xf32, #tpu.memory_space<hbm>>) dst(%dma_wait3A_126 : memref<128x32xf32, #tpu.memory_space<vmem>>)
    %dma_wait3A_133 = arith.constant 2 : i32
    %dma_wait3A_134 = arith.constant 2 : i32
    %dma_wait3A_135 = arith.constant 0 : i32
    %dma_wait3A_136 = tpu.memref_slice %arg9[%dma_wait3A_134, %dma_wait3A_135] : memref<4x128xf32, #tpu.memory_space<vmem>> -> memref<1x128xf32, #tpu.memory_space<vmem>>
    %dma_wait3A_137 = tpu.memref_squeeze %dma_wait3A_136 : memref<1x128xf32, #tpu.memory_space<vmem>> -> memref<128xf32, #tpu.memory_space<vmem>>
    %dma_wait3A_138 = arith.constant 0 : i32
    %dma_wait3A_139 = tpu.memref_slice %arg7[%dma_wait3A_133, %dma_wait3A_138] : memref<4x128xi32, #tpu.memory_space<vmem>> -> memref<1x128xi32, #tpu.memory_space<vmem>>
    %dma_wait3A_140 = tpu.memref_squeeze %dma_wait3A_139 : memref<1x128xi32, #tpu.memory_space<vmem>> -> memref<128xi32, #tpu.memory_space<vmem>>
    %dma_wait3A_141 = arith.constant 0 : i32
    %dma_wait3A_142 = tpu.memref_slice %arg4[%dma_wait3A_141] : memref<1000000xf32, #tpu.memory_space<hbm>> -> memref<1000000xf32, #tpu.memory_space<hbm>>
    tpu.wait_indirect_dma semaphore(%arg11 : memref<!tpu.dma_semaphore, #tpu.memory_space<semaphore_mem>>) src(%dma_wait3A_142 : memref<1000000xf32, #tpu.memory_space<hbm>>) dst(%dma_wait3A_137 : memref<128xf32, #tpu.memory_space<vmem>>)
    %dma_wait3A_143 = arith.constant 3 : i32
    %dma_wait3A_144 = arith.constant 384 : i32
    %dma_wait3A_145 = arith.constant 0 : i32
    %dma_wait3A_146 = tpu.memref_slice %arg8[%dma_wait3A_144, %dma_wait3A_145] : memref<512x32xf32, #tpu.memory_space<vmem>> -> memref<128x32xf32, #tpu.memory_space<vmem>>
    %dma_wait3A_147 = arith.constant 0 : i32
    %dma_wait3A_148 = tpu.memref_slice %arg7[%dma_wait3A_143, %dma_wait3A_147] : memref<4x128xi32, #tpu.memory_space<vmem>> -> memref<1x128xi32, #tpu.memory_space<vmem>>
    %dma_wait3A_149 = tpu.memref_squeeze %dma_wait3A_148 : memref<1x128xi32, #tpu.memory_space<vmem>> -> memref<128xi32, #tpu.memory_space<vmem>>
    %dma_wait3A_150 = arith.constant 0 : i32
    %dma_wait3A_151 = arith.constant 0 : i32
    %dma_wait3A_152 = tpu.memref_slice %arg3[%dma_wait3A_150, %dma_wait3A_151] : memref<1000000x32xf32, #tpu.memory_space<hbm>> -> memref<1000000x32xf32, #tpu.memory_space<hbm>>
    tpu.wait_indirect_dma semaphore(%arg10 : memref<!tpu.dma_semaphore, #tpu.memory_space<semaphore_mem>>) src(%dma_wait3A_152 : memref<1000000x32xf32, #tpu.memory_space<hbm>>) dst(%dma_wait3A_146 : memref<128x32xf32, #tpu.memory_space<vmem>>)
    %dma_wait3A_153 = arith.constant 3 : i32
    %dma_wait3A_154 = arith.constant 3 : i32
    %dma_wait3A_155 = arith.constant 0 : i32
    %dma_wait3A_156 = tpu.memref_slice %arg9[%dma_wait3A_154, %dma_wait3A_155] : memref<4x128xf32, #tpu.memory_space<vmem>> -> memref<1x128xf32, #tpu.memory_space<vmem>>
    %dma_wait3A_157 = tpu.memref_squeeze %dma_wait3A_156 : memref<1x128xf32, #tpu.memory_space<vmem>> -> memref<128xf32, #tpu.memory_space<vmem>>
    %dma_wait3A_158 = arith.constant 0 : i32
    %dma_wait3A_159 = tpu.memref_slice %arg7[%dma_wait3A_153, %dma_wait3A_158] : memref<4x128xi32, #tpu.memory_space<vmem>> -> memref<1x128xi32, #tpu.memory_space<vmem>>
    %dma_wait3A_160 = tpu.memref_squeeze %dma_wait3A_159 : memref<1x128xi32, #tpu.memory_space<vmem>> -> memref<128xi32, #tpu.memory_space<vmem>>
    %dma_wait3A_161 = arith.constant 0 : i32
    %dma_wait3A_162 = tpu.memref_slice %arg4[%dma_wait3A_161] : memref<1000000xf32, #tpu.memory_space<hbm>> -> memref<1000000xf32, #tpu.memory_space<hbm>>
    tpu.wait_indirect_dma semaphore(%arg11 : memref<!tpu.dma_semaphore, #tpu.memory_space<semaphore_mem>>) src(%dma_wait3A_162 : memref<1000000xf32, #tpu.memory_space<hbm>>) dst(%dma_wait3A_157 : memref<128xf32, #tpu.memory_space<vmem>>)
    "tpu.region"() ({
      %run_scoped3A = tpu.sem_alloc : memref<!tpu.dma_semaphore, #tpu.memory_space<semaphore_mem>>
      %dma_start3A_163 = arith.constant 0 : i32
      %dma_start3A_164 = tpu.memref_slice %arg5[%mul3A_4, %dma_start3A_163] : memref<16384x32xf32, #tpu.memory_space<hbm>> -> memref<512x32xf32, #tpu.memory_space<hbm>>
      %dma_start3A_165 = arith.constant 0 : i32
      %dma_start3A_166 = tpu.memref_slice %arg5[%mul3A_4, %dma_start3A_165] : memref<16384x32xf32, #tpu.memory_space<hbm>> -> memref<512x32xf32, #tpu.memory_space<hbm>>
      tpu.enqueue_dma source(%arg8 : memref<512x32xf32, #tpu.memory_space<vmem>>) target(%dma_start3A_166 : memref<512x32xf32, #tpu.memory_space<hbm>>) target_semaphore(%run_scoped3A : memref<!tpu.dma_semaphore, #tpu.memory_space<semaphore_mem>>)
      %dma_wait3A_167 = arith.constant 0 : i32
      %dma_wait3A_168 = tpu.memref_slice %arg5[%mul3A_4, %dma_wait3A_167] : memref<16384x32xf32, #tpu.memory_space<hbm>> -> memref<512x32xf32, #tpu.memory_space<hbm>>
      %dma_wait3A_169 = arith.constant 0 : i32
      %dma_wait3A_170 = tpu.memref_slice %arg5[%mul3A_4, %dma_wait3A_169] : memref<16384x32xf32, #tpu.memory_space<hbm>> -> memref<512x32xf32, #tpu.memory_space<hbm>>
      tpu.wait_dma2 semaphore(%run_scoped3A : memref<!tpu.dma_semaphore, #tpu.memory_space<semaphore_mem>>) src(%arg8 : memref<512x32xf32, #tpu.memory_space<vmem>>) dst(%dma_wait3A_170 : memref<512x32xf32, #tpu.memory_space<hbm>>)
      tpu.yield
    }) : () -> ()
    "tpu.region"() ({
      %run_scoped3A = tpu.sem_alloc : memref<!tpu.dma_semaphore, #tpu.memory_space<semaphore_mem>>
      %dma_start3A_163 = arith.constant 0 : i32
      %dma_start3A_164 = tpu.memref_slice %arg6[%mul3A_2, %dma_start3A_163] : memref<128x128xf32, #tpu.memory_space<hbm>> -> memref<4x128xf32, #tpu.memory_space<hbm>>
      %dma_start3A_165 = arith.constant 0 : i32
      %dma_start3A_166 = tpu.memref_slice %arg6[%mul3A_2, %dma_start3A_165] : memref<128x128xf32, #tpu.memory_space<hbm>> -> memref<4x128xf32, #tpu.memory_space<hbm>>
      tpu.enqueue_dma source(%arg9 : memref<4x128xf32, #tpu.memory_space<vmem>>) target(%dma_start3A_166 : memref<4x128xf32, #tpu.memory_space<hbm>>) target_semaphore(%run_scoped3A : memref<!tpu.dma_semaphore, #tpu.memory_space<semaphore_mem>>)
      %dma_wait3A_167 = arith.constant 0 : i32
      %dma_wait3A_168 = tpu.memref_slice %arg6[%mul3A_2, %dma_wait3A_167] : memref<128x128xf32, #tpu.memory_space<hbm>> -> memref<4x128xf32, #tpu.memory_space<hbm>>
      %dma_wait3A_169 = arith.constant 0 : i32
      %dma_wait3A_170 = tpu.memref_slice %arg6[%mul3A_2, %dma_wait3A_169] : memref<128x128xf32, #tpu.memory_space<hbm>> -> memref<4x128xf32, #tpu.memory_space<hbm>>
      tpu.wait_dma2 semaphore(%run_scoped3A : memref<!tpu.dma_semaphore, #tpu.memory_space<semaphore_mem>>) src(%arg9 : memref<4x128xf32, #tpu.memory_space<vmem>>) dst(%dma_wait3A_170 : memref<4x128xf32, #tpu.memory_space<hbm>>)
      tpu.yield
    }) : () -> ()
    return
  }
}

module attributes {stable_mosaic.version = 14 : i64} {
  func.func @_math_body(%arg0: i32, %arg1: memref<512x128xf32, #tpu.memory_space<vmem>>, %arg2: memref<512x128xf32, #tpu.memory_space<vmem>>, %arg3: memref<512x4xf32, #tpu.memory_space<vmem>>, %arg4: memref<512x4xf32, #tpu.memory_space<vmem>>, %arg5: memref<128x4xf32, #tpu.memory_space<vmem>>, %arg6: memref<512x4xf32, #tpu.memory_space<vmem>>) attributes {dimension_semantics = [#tpu.dimension_semantics<arbitrary>], iteration_bounds = array<i64: 8>, scalar_prefetch = 0 : i64, scratch_operands = 0 : i64, tpu.core_type = #tpu.core_type<tc>, window_params = [{transform_indices = @transform_0, window_bounds = array<i64: 512, 128>}, {transform_indices = @transform_1, window_bounds = array<i64: 512, 128>}, {transform_indices = @transform_2, window_bounds = array<i64: 512, 4>}, {transform_indices = @transform_3, window_bounds = array<i64: 512, 4>}, {pipeline_mode = #tpu.pipeline_mode<synchronous>, transform_indices = @transform_4, window_bounds = array<i64: 128, 4>}, {transform_indices = @transform_5, window_bounds = array<i64: 512, 4>}]} {
    %get3A = arith.constant 0 : index
    %get3A_0 = arith.constant 0 : index
    %get3A_1 = vector.load %arg1[%get3A, %get3A_0] : memref<512x128xf32, #tpu.memory_space<vmem>>, vector<512x128xf32>
    %get3A_2 = arith.constant 0 : index
    %get3A_3 = arith.constant 0 : index
    %get3A_4 = vector.load %arg2[%get3A_2, %get3A_3] : memref<512x128xf32, #tpu.memory_space<vmem>>, vector<512x128xf32>
    %ne3A = arith.cmpf one, %get3A_1, %get3A_1 : vector<512x128xf32>
    %jit3A = arith.constant 5.000000e-02 : f32
    %broadcast_in_dim3A = vector.broadcast %jit3A : f32 to vector<512x128xf32>
    %select_n3A = arith.select %ne3A, %broadcast_in_dim3A, %get3A_1 : vector<512x128xi1>, vector<512x128xf32>
    %ne3A_5 = arith.cmpf one, %get3A_4, %get3A_4 : vector<512x128xf32>
    %jit3A_6 = arith.constant 5.000000e-02 : f32
    %broadcast_in_dim3A_7 = vector.broadcast %jit3A_6 : f32 to vector<512x128xf32>
    %select_n3A_8 = arith.select %ne3A_5, %broadcast_in_dim3A_7, %get3A_4 : vector<512x128xi1>, vector<512x128xf32>
    %add3A = arith.constant 1.000000e+00 : f32
    %add3A_9 = vector.broadcast %add3A : f32 to vector<512x128xf32>
    %add3A_10 = arith.addf %select_n3A, %add3A_9 : vector<512x128xf32>
    %jit3A_11 = arith.constant 1.000000e+00 : f32
    %jit3A_12 = arith.constant 1.000000e+02 : f32
    %max3A = vector.broadcast %jit3A_11 : f32 to vector<512x128xf32>
    %max3A_13 = arith.maximumf %max3A, %add3A_10 : vector<512x128xf32>
    %min3A = vector.broadcast %jit3A_12 : f32 to vector<512x128xf32>
    %min3A_14 = arith.minimumf %min3A, %max3A_13 : vector<512x128xf32>
    %add3A_15 = arith.constant 1.000000e+00 : f32
    %add3A_16 = vector.broadcast %add3A_15 : f32 to vector<512x128xf32>
    %add3A_17 = arith.addf %select_n3A_8, %add3A_16 : vector<512x128xf32>
    %jit3A_18 = arith.constant 1.000000e+00 : f32
    %jit3A_19 = arith.constant 1.000000e+02 : f32
    %max3A_20 = vector.broadcast %jit3A_18 : f32 to vector<512x128xf32>
    %max3A_21 = arith.maximumf %max3A_20, %add3A_17 : vector<512x128xf32>
    %min3A_22 = vector.broadcast %jit3A_19 : f32 to vector<512x128xf32>
    %min3A_23 = arith.minimumf %min3A_22, %max3A_21 : vector<512x128xf32>
    %slice3A = vector.extract_strided_slice %min3A_14 {offsets = [0, 16], sizes = [512, 112], strides = [1, 1]} : vector<512x128xf32> to vector<512x112xf32>
    %slice3A_24 = vector.extract_strided_slice %min3A_14 {offsets = [0, 0], sizes = [512, 16], strides = [1, 1]} : vector<512x128xf32> to vector<512x16xf32>
    %concatenate3A = tpu.concatenate %slice3A, %slice3A_24 in 1 : vector<512x112xf32>, vector<512x16xf32> -> vector<512x128xf32>
    %slice3A_25 = vector.extract_strided_slice %min3A_23 {offsets = [0, 16], sizes = [512, 112], strides = [1, 1]} : vector<512x128xf32> to vector<512x112xf32>
    %slice3A_26 = vector.extract_strided_slice %min3A_23 {offsets = [0, 0], sizes = [512, 16], strides = [1, 1]} : vector<512x128xf32> to vector<512x16xf32>
    %concatenate3A_27 = tpu.concatenate %slice3A_25, %slice3A_26 in 1 : vector<512x112xf32>, vector<512x16xf32> -> vector<512x128xf32>
    %add3A_28 = arith.addf %concatenate3A, %concatenate3A_27 : vector<512x128xf32>
    %mul3A = arith.constant 5.000000e-01 : f32
    %mul3A_29 = vector.broadcast %mul3A : f32 to vector<512x128xf32>
    %mul3A_30 = arith.mulf %mul3A_29, %add3A_28 : vector<512x128xf32>
    %add3A_31 = arith.addf %min3A_14, %min3A_23 : vector<512x128xf32>
    %mul3A_32 = arith.constant 5.000000e-01 : f32
    %mul3A_33 = vector.broadcast %mul3A_32 : f32 to vector<512x128xf32>
    %mul3A_34 = arith.mulf %mul3A_33, %add3A_31 : vector<512x128xf32>
    %add3A_35 = arith.addf %mul3A_30, %mul3A_34 : vector<512x128xf32>
    %add3A_36 = arith.addf %min3A_14, %concatenate3A : vector<512x128xf32>
    %add3A_37 = arith.addf %min3A_23, %concatenate3A_27 : vector<512x128xf32>
    %log3A = math.log %min3A_14 : vector<512x128xf32>
    %div3A = arith.constant 1.000000e+00 : f32
    %div3A_38 = vector.broadcast %div3A : f32 to vector<512x128xf32>
    %div3A_39 = arith.divf %div3A_38, %min3A_14 : vector<512x128xf32>
    %sub3A = arith.constant 5.000000e-01 : f32
    %sub3A_40 = vector.broadcast %sub3A : f32 to vector<512x128xf32>
    %sub3A_41 = arith.subf %min3A_14, %sub3A_40 : vector<512x128xf32>
    %mul3A_42 = arith.mulf %sub3A_41, %log3A : vector<512x128xf32>
    %sub3A_43 = arith.subf %mul3A_42, %min3A_14 : vector<512x128xf32>
    %add3A_44 = arith.constant 0.918938517 : f32
    %add3A_45 = vector.broadcast %add3A_44 : f32 to vector<512x128xf32>
    %add3A_46 = arith.addf %sub3A_43, %add3A_45 : vector<512x128xf32>
    %mul3A_47 = arith.mulf %div3A_39, %div3A_39 : vector<512x128xf32>
    %mul3A_48 = arith.constant 0.00277777785 : f32
    %mul3A_49 = vector.broadcast %mul3A_48 : f32 to vector<512x128xf32>
    %mul3A_50 = arith.mulf %mul3A_47, %mul3A_49 : vector<512x128xf32>
    %sub3A_51 = arith.constant 0.0833333358 : f32
    %sub3A_52 = vector.broadcast %sub3A_51 : f32 to vector<512x128xf32>
    %sub3A_53 = arith.subf %sub3A_52, %mul3A_50 : vector<512x128xf32>
    %mul3A_54 = arith.mulf %div3A_39, %sub3A_53 : vector<512x128xf32>
    %add3A_55 = arith.addf %add3A_46, %mul3A_54 : vector<512x128xf32>
    %mul3A_56 = arith.mulf %div3A_39, %div3A_39 : vector<512x128xf32>
    %mul3A_57 = arith.constant 5.000000e-01 : f32
    %mul3A_58 = vector.broadcast %mul3A_57 : f32 to vector<512x128xf32>
    %mul3A_59 = arith.mulf %div3A_39, %mul3A_58 : vector<512x128xf32>
    %sub3A_60 = arith.subf %log3A, %mul3A_59 : vector<512x128xf32>
    %mul3A_61 = arith.constant 0.0833333358 : f32
    %mul3A_62 = vector.broadcast %mul3A_61 : f32 to vector<512x128xf32>
    %mul3A_63 = arith.mulf %mul3A_56, %mul3A_62 : vector<512x128xf32>
    %sub3A_64 = arith.subf %sub3A_60, %mul3A_63 : vector<512x128xf32>
    %mul3A_65 = arith.mulf %mul3A_56, %mul3A_56 : vector<512x128xf32>
    %mul3A_66 = arith.constant 0.00833333377 : f32
    %mul3A_67 = vector.broadcast %mul3A_66 : f32 to vector<512x128xf32>
    %mul3A_68 = arith.mulf %mul3A_65, %mul3A_67 : vector<512x128xf32>
    %add3A_69 = arith.addf %sub3A_64, %mul3A_68 : vector<512x128xf32>
    %log3A_70 = math.log %concatenate3A : vector<512x128xf32>
    %div3A_71 = arith.constant 1.000000e+00 : f32
    %div3A_72 = vector.broadcast %div3A_71 : f32 to vector<512x128xf32>
    %div3A_73 = arith.divf %div3A_72, %concatenate3A : vector<512x128xf32>
    %sub3A_74 = arith.constant 5.000000e-01 : f32
    %sub3A_75 = vector.broadcast %sub3A_74 : f32 to vector<512x128xf32>
    %sub3A_76 = arith.subf %concatenate3A, %sub3A_75 : vector<512x128xf32>
    %mul3A_77 = arith.mulf %sub3A_76, %log3A_70 : vector<512x128xf32>
    %sub3A_78 = arith.subf %mul3A_77, %concatenate3A : vector<512x128xf32>
    %add3A_79 = arith.constant 0.918938517 : f32
    %add3A_80 = vector.broadcast %add3A_79 : f32 to vector<512x128xf32>
    %add3A_81 = arith.addf %sub3A_78, %add3A_80 : vector<512x128xf32>
    %mul3A_82 = arith.mulf %div3A_73, %div3A_73 : vector<512x128xf32>
    %mul3A_83 = arith.constant 0.00277777785 : f32
    %mul3A_84 = vector.broadcast %mul3A_83 : f32 to vector<512x128xf32>
    %mul3A_85 = arith.mulf %mul3A_82, %mul3A_84 : vector<512x128xf32>
    %sub3A_86 = arith.constant 0.0833333358 : f32
    %sub3A_87 = vector.broadcast %sub3A_86 : f32 to vector<512x128xf32>
    %sub3A_88 = arith.subf %sub3A_87, %mul3A_85 : vector<512x128xf32>
    %mul3A_89 = arith.mulf %div3A_73, %sub3A_88 : vector<512x128xf32>
    %add3A_90 = arith.addf %add3A_81, %mul3A_89 : vector<512x128xf32>
    %mul3A_91 = arith.mulf %div3A_73, %div3A_73 : vector<512x128xf32>
    %mul3A_92 = arith.constant 5.000000e-01 : f32
    %mul3A_93 = vector.broadcast %mul3A_92 : f32 to vector<512x128xf32>
    %mul3A_94 = arith.mulf %div3A_73, %mul3A_93 : vector<512x128xf32>
    %sub3A_95 = arith.subf %log3A_70, %mul3A_94 : vector<512x128xf32>
    %mul3A_96 = arith.constant 0.0833333358 : f32
    %mul3A_97 = vector.broadcast %mul3A_96 : f32 to vector<512x128xf32>
    %mul3A_98 = arith.mulf %mul3A_91, %mul3A_97 : vector<512x128xf32>
    %sub3A_99 = arith.subf %sub3A_95, %mul3A_98 : vector<512x128xf32>
    %mul3A_100 = arith.mulf %mul3A_91, %mul3A_91 : vector<512x128xf32>
    %mul3A_101 = arith.constant 0.00833333377 : f32
    %mul3A_102 = vector.broadcast %mul3A_101 : f32 to vector<512x128xf32>
    %mul3A_103 = arith.mulf %mul3A_100, %mul3A_102 : vector<512x128xf32>
    %add3A_104 = arith.addf %sub3A_99, %mul3A_103 : vector<512x128xf32>
    %log3A_105 = math.log %min3A_23 : vector<512x128xf32>
    %div3A_106 = arith.constant 1.000000e+00 : f32
    %div3A_107 = vector.broadcast %div3A_106 : f32 to vector<512x128xf32>
    %div3A_108 = arith.divf %div3A_107, %min3A_23 : vector<512x128xf32>
    %sub3A_109 = arith.constant 5.000000e-01 : f32
    %sub3A_110 = vector.broadcast %sub3A_109 : f32 to vector<512x128xf32>
    %sub3A_111 = arith.subf %min3A_23, %sub3A_110 : vector<512x128xf32>
    %mul3A_112 = arith.mulf %sub3A_111, %log3A_105 : vector<512x128xf32>
    %sub3A_113 = arith.subf %mul3A_112, %min3A_23 : vector<512x128xf32>
    %add3A_114 = arith.constant 0.918938517 : f32
    %add3A_115 = vector.broadcast %add3A_114 : f32 to vector<512x128xf32>
    %add3A_116 = arith.addf %sub3A_113, %add3A_115 : vector<512x128xf32>
    %mul3A_117 = arith.mulf %div3A_108, %div3A_108 : vector<512x128xf32>
    %mul3A_118 = arith.constant 0.00277777785 : f32
    %mul3A_119 = vector.broadcast %mul3A_118 : f32 to vector<512x128xf32>
    %mul3A_120 = arith.mulf %mul3A_117, %mul3A_119 : vector<512x128xf32>
    %sub3A_121 = arith.constant 0.0833333358 : f32
    %sub3A_122 = vector.broadcast %sub3A_121 : f32 to vector<512x128xf32>
    %sub3A_123 = arith.subf %sub3A_122, %mul3A_120 : vector<512x128xf32>
    %mul3A_124 = arith.mulf %div3A_108, %sub3A_123 : vector<512x128xf32>
    %add3A_125 = arith.addf %add3A_116, %mul3A_124 : vector<512x128xf32>
    %mul3A_126 = arith.mulf %div3A_108, %div3A_108 : vector<512x128xf32>
    %mul3A_127 = arith.constant 5.000000e-01 : f32
    %mul3A_128 = vector.broadcast %mul3A_127 : f32 to vector<512x128xf32>
    %mul3A_129 = arith.mulf %div3A_108, %mul3A_128 : vector<512x128xf32>
    %sub3A_130 = arith.subf %log3A_105, %mul3A_129 : vector<512x128xf32>
    %mul3A_131 = arith.constant 0.0833333358 : f32
    %mul3A_132 = vector.broadcast %mul3A_131 : f32 to vector<512x128xf32>
    %mul3A_133 = arith.mulf %mul3A_126, %mul3A_132 : vector<512x128xf32>
    %sub3A_134 = arith.subf %sub3A_130, %mul3A_133 : vector<512x128xf32>
    %mul3A_135 = arith.mulf %mul3A_126, %mul3A_126 : vector<512x128xf32>
    %mul3A_136 = arith.constant 0.00833333377 : f32
    %mul3A_137 = vector.broadcast %mul3A_136 : f32 to vector<512x128xf32>
    %mul3A_138 = arith.mulf %mul3A_135, %mul3A_137 : vector<512x128xf32>
    %add3A_139 = arith.addf %sub3A_134, %mul3A_138 : vector<512x128xf32>
    %log3A_140 = math.log %concatenate3A_27 : vector<512x128xf32>
    %div3A_141 = arith.constant 1.000000e+00 : f32
    %div3A_142 = vector.broadcast %div3A_141 : f32 to vector<512x128xf32>
    %div3A_143 = arith.divf %div3A_142, %concatenate3A_27 : vector<512x128xf32>
    %sub3A_144 = arith.constant 5.000000e-01 : f32
    %sub3A_145 = vector.broadcast %sub3A_144 : f32 to vector<512x128xf32>
    %sub3A_146 = arith.subf %concatenate3A_27, %sub3A_145 : vector<512x128xf32>
    %mul3A_147 = arith.mulf %sub3A_146, %log3A_140 : vector<512x128xf32>
    %sub3A_148 = arith.subf %mul3A_147, %concatenate3A_27 : vector<512x128xf32>
    %add3A_149 = arith.constant 0.918938517 : f32
    %add3A_150 = vector.broadcast %add3A_149 : f32 to vector<512x128xf32>
    %add3A_151 = arith.addf %sub3A_148, %add3A_150 : vector<512x128xf32>
    %mul3A_152 = arith.mulf %div3A_143, %div3A_143 : vector<512x128xf32>
    %mul3A_153 = arith.constant 0.00277777785 : f32
    %mul3A_154 = vector.broadcast %mul3A_153 : f32 to vector<512x128xf32>
    %mul3A_155 = arith.mulf %mul3A_152, %mul3A_154 : vector<512x128xf32>
    %sub3A_156 = arith.constant 0.0833333358 : f32
    %sub3A_157 = vector.broadcast %sub3A_156 : f32 to vector<512x128xf32>
    %sub3A_158 = arith.subf %sub3A_157, %mul3A_155 : vector<512x128xf32>
    %mul3A_159 = arith.mulf %div3A_143, %sub3A_158 : vector<512x128xf32>
    %add3A_160 = arith.addf %add3A_151, %mul3A_159 : vector<512x128xf32>
    %mul3A_161 = arith.mulf %div3A_143, %div3A_143 : vector<512x128xf32>
    %mul3A_162 = arith.constant 5.000000e-01 : f32
    %mul3A_163 = vector.broadcast %mul3A_162 : f32 to vector<512x128xf32>
    %mul3A_164 = arith.mulf %div3A_143, %mul3A_163 : vector<512x128xf32>
    %sub3A_165 = arith.subf %log3A_140, %mul3A_164 : vector<512x128xf32>
    %mul3A_166 = arith.constant 0.0833333358 : f32
    %mul3A_167 = vector.broadcast %mul3A_166 : f32 to vector<512x128xf32>
    %mul3A_168 = arith.mulf %mul3A_161, %mul3A_167 : vector<512x128xf32>
    %sub3A_169 = arith.subf %sub3A_165, %mul3A_168 : vector<512x128xf32>
    %mul3A_170 = arith.mulf %mul3A_161, %mul3A_161 : vector<512x128xf32>
    %mul3A_171 = arith.constant 0.00833333377 : f32
    %mul3A_172 = vector.broadcast %mul3A_171 : f32 to vector<512x128xf32>
    %mul3A_173 = arith.mulf %mul3A_170, %mul3A_172 : vector<512x128xf32>
    %add3A_174 = arith.addf %sub3A_169, %mul3A_173 : vector<512x128xf32>
    %log3A_175 = math.log %add3A_36 : vector<512x128xf32>
    %div3A_176 = arith.constant 1.000000e+00 : f32
    %div3A_177 = vector.broadcast %div3A_176 : f32 to vector<512x128xf32>
    %div3A_178 = arith.divf %div3A_177, %add3A_36 : vector<512x128xf32>
    %sub3A_179 = arith.constant 5.000000e-01 : f32
    %sub3A_180 = vector.broadcast %sub3A_179 : f32 to vector<512x128xf32>
    %sub3A_181 = arith.subf %add3A_36, %sub3A_180 : vector<512x128xf32>
    %mul3A_182 = arith.mulf %sub3A_181, %log3A_175 : vector<512x128xf32>
    %sub3A_183 = arith.subf %mul3A_182, %add3A_36 : vector<512x128xf32>
    %add3A_184 = arith.constant 0.918938517 : f32
    %add3A_185 = vector.broadcast %add3A_184 : f32 to vector<512x128xf32>
    %add3A_186 = arith.addf %sub3A_183, %add3A_185 : vector<512x128xf32>
    %mul3A_187 = arith.mulf %div3A_178, %div3A_178 : vector<512x128xf32>
    %mul3A_188 = arith.constant 0.00277777785 : f32
    %mul3A_189 = vector.broadcast %mul3A_188 : f32 to vector<512x128xf32>
    %mul3A_190 = arith.mulf %mul3A_187, %mul3A_189 : vector<512x128xf32>
    %sub3A_191 = arith.constant 0.0833333358 : f32
    %sub3A_192 = vector.broadcast %sub3A_191 : f32 to vector<512x128xf32>
    %sub3A_193 = arith.subf %sub3A_192, %mul3A_190 : vector<512x128xf32>
    %mul3A_194 = arith.mulf %div3A_178, %sub3A_193 : vector<512x128xf32>
    %add3A_195 = arith.addf %add3A_186, %mul3A_194 : vector<512x128xf32>
    %mul3A_196 = arith.mulf %div3A_178, %div3A_178 : vector<512x128xf32>
    %mul3A_197 = arith.constant 5.000000e-01 : f32
    %mul3A_198 = vector.broadcast %mul3A_197 : f32 to vector<512x128xf32>
    %mul3A_199 = arith.mulf %div3A_178, %mul3A_198 : vector<512x128xf32>
    %sub3A_200 = arith.subf %log3A_175, %mul3A_199 : vector<512x128xf32>
    %mul3A_201 = arith.constant 0.0833333358 : f32
    %mul3A_202 = vector.broadcast %mul3A_201 : f32 to vector<512x128xf32>
    %mul3A_203 = arith.mulf %mul3A_196, %mul3A_202 : vector<512x128xf32>
    %sub3A_204 = arith.subf %sub3A_200, %mul3A_203 : vector<512x128xf32>
    %mul3A_205 = arith.mulf %mul3A_196, %mul3A_196 : vector<512x128xf32>
    %mul3A_206 = arith.constant 0.00833333377 : f32
    %mul3A_207 = vector.broadcast %mul3A_206 : f32 to vector<512x128xf32>
    %mul3A_208 = arith.mulf %mul3A_205, %mul3A_207 : vector<512x128xf32>
    %add3A_209 = arith.addf %sub3A_204, %mul3A_208 : vector<512x128xf32>
    %log3A_210 = math.log %add3A_37 : vector<512x128xf32>
    %div3A_211 = arith.constant 1.000000e+00 : f32
    %div3A_212 = vector.broadcast %div3A_211 : f32 to vector<512x128xf32>
    %div3A_213 = arith.divf %div3A_212, %add3A_37 : vector<512x128xf32>
    %sub3A_214 = arith.constant 5.000000e-01 : f32
    %sub3A_215 = vector.broadcast %sub3A_214 : f32 to vector<512x128xf32>
    %sub3A_216 = arith.subf %add3A_37, %sub3A_215 : vector<512x128xf32>
    %mul3A_217 = arith.mulf %sub3A_216, %log3A_210 : vector<512x128xf32>
    %sub3A_218 = arith.subf %mul3A_217, %add3A_37 : vector<512x128xf32>
    %add3A_219 = arith.constant 0.918938517 : f32
    %add3A_220 = vector.broadcast %add3A_219 : f32 to vector<512x128xf32>
    %add3A_221 = arith.addf %sub3A_218, %add3A_220 : vector<512x128xf32>
    %mul3A_222 = arith.mulf %div3A_213, %div3A_213 : vector<512x128xf32>
    %mul3A_223 = arith.constant 0.00277777785 : f32
    %mul3A_224 = vector.broadcast %mul3A_223 : f32 to vector<512x128xf32>
    %mul3A_225 = arith.mulf %mul3A_222, %mul3A_224 : vector<512x128xf32>
    %sub3A_226 = arith.constant 0.0833333358 : f32
    %sub3A_227 = vector.broadcast %sub3A_226 : f32 to vector<512x128xf32>
    %sub3A_228 = arith.subf %sub3A_227, %mul3A_225 : vector<512x128xf32>
    %mul3A_229 = arith.mulf %div3A_213, %sub3A_228 : vector<512x128xf32>
    %add3A_230 = arith.addf %add3A_221, %mul3A_229 : vector<512x128xf32>
    %mul3A_231 = arith.mulf %div3A_213, %div3A_213 : vector<512x128xf32>
    %mul3A_232 = arith.constant 5.000000e-01 : f32
    %mul3A_233 = vector.broadcast %mul3A_232 : f32 to vector<512x128xf32>
    %mul3A_234 = arith.mulf %div3A_213, %mul3A_233 : vector<512x128xf32>
    %sub3A_235 = arith.subf %log3A_210, %mul3A_234 : vector<512x128xf32>
    %mul3A_236 = arith.constant 0.0833333358 : f32
    %mul3A_237 = vector.broadcast %mul3A_236 : f32 to vector<512x128xf32>
    %mul3A_238 = arith.mulf %mul3A_231, %mul3A_237 : vector<512x128xf32>
    %sub3A_239 = arith.subf %sub3A_235, %mul3A_238 : vector<512x128xf32>
    %mul3A_240 = arith.mulf %mul3A_231, %mul3A_231 : vector<512x128xf32>
    %mul3A_241 = arith.constant 0.00833333377 : f32
    %mul3A_242 = vector.broadcast %mul3A_241 : f32 to vector<512x128xf32>
    %mul3A_243 = arith.mulf %mul3A_240, %mul3A_242 : vector<512x128xf32>
    %add3A_244 = arith.addf %sub3A_239, %mul3A_243 : vector<512x128xf32>
    %log3A_245 = math.log %mul3A_30 : vector<512x128xf32>
    %div3A_246 = arith.constant 1.000000e+00 : f32
    %div3A_247 = vector.broadcast %div3A_246 : f32 to vector<512x128xf32>
    %div3A_248 = arith.divf %div3A_247, %mul3A_30 : vector<512x128xf32>
    %sub3A_249 = arith.constant 5.000000e-01 : f32
    %sub3A_250 = vector.broadcast %sub3A_249 : f32 to vector<512x128xf32>
    %sub3A_251 = arith.subf %mul3A_30, %sub3A_250 : vector<512x128xf32>
    %mul3A_252 = arith.mulf %sub3A_251, %log3A_245 : vector<512x128xf32>
    %sub3A_253 = arith.subf %mul3A_252, %mul3A_30 : vector<512x128xf32>
    %add3A_254 = arith.constant 0.918938517 : f32
    %add3A_255 = vector.broadcast %add3A_254 : f32 to vector<512x128xf32>
    %add3A_256 = arith.addf %sub3A_253, %add3A_255 : vector<512x128xf32>
    %mul3A_257 = arith.mulf %div3A_248, %div3A_248 : vector<512x128xf32>
    %mul3A_258 = arith.constant 0.00277777785 : f32
    %mul3A_259 = vector.broadcast %mul3A_258 : f32 to vector<512x128xf32>
    %mul3A_260 = arith.mulf %mul3A_257, %mul3A_259 : vector<512x128xf32>
    %sub3A_261 = arith.constant 0.0833333358 : f32
    %sub3A_262 = vector.broadcast %sub3A_261 : f32 to vector<512x128xf32>
    %sub3A_263 = arith.subf %sub3A_262, %mul3A_260 : vector<512x128xf32>
    %mul3A_264 = arith.mulf %div3A_248, %sub3A_263 : vector<512x128xf32>
    %add3A_265 = arith.addf %add3A_256, %mul3A_264 : vector<512x128xf32>
    %log3A_266 = math.log %mul3A_34 : vector<512x128xf32>
    %div3A_267 = arith.constant 1.000000e+00 : f32
    %div3A_268 = vector.broadcast %div3A_267 : f32 to vector<512x128xf32>
    %div3A_269 = arith.divf %div3A_268, %mul3A_34 : vector<512x128xf32>
    %sub3A_270 = arith.constant 5.000000e-01 : f32
    %sub3A_271 = vector.broadcast %sub3A_270 : f32 to vector<512x128xf32>
    %sub3A_272 = arith.subf %mul3A_34, %sub3A_271 : vector<512x128xf32>
    %mul3A_273 = arith.mulf %sub3A_272, %log3A_266 : vector<512x128xf32>
    %sub3A_274 = arith.subf %mul3A_273, %mul3A_34 : vector<512x128xf32>
    %add3A_275 = arith.constant 0.918938517 : f32
    %add3A_276 = vector.broadcast %add3A_275 : f32 to vector<512x128xf32>
    %add3A_277 = arith.addf %sub3A_274, %add3A_276 : vector<512x128xf32>
    %mul3A_278 = arith.mulf %div3A_269, %div3A_269 : vector<512x128xf32>
    %mul3A_279 = arith.constant 0.00277777785 : f32
    %mul3A_280 = vector.broadcast %mul3A_279 : f32 to vector<512x128xf32>
    %mul3A_281 = arith.mulf %mul3A_278, %mul3A_280 : vector<512x128xf32>
    %sub3A_282 = arith.constant 0.0833333358 : f32
    %sub3A_283 = vector.broadcast %sub3A_282 : f32 to vector<512x128xf32>
    %sub3A_284 = arith.subf %sub3A_283, %mul3A_281 : vector<512x128xf32>
    %mul3A_285 = arith.mulf %div3A_269, %sub3A_284 : vector<512x128xf32>
    %add3A_286 = arith.addf %add3A_277, %mul3A_285 : vector<512x128xf32>
    %add3A_287 = arith.addf %add3A_265, %add3A_286 : vector<512x128xf32>
    %log3A_288 = math.log %add3A_35 : vector<512x128xf32>
    %div3A_289 = arith.constant 1.000000e+00 : f32
    %div3A_290 = vector.broadcast %div3A_289 : f32 to vector<512x128xf32>
    %div3A_291 = arith.divf %div3A_290, %add3A_35 : vector<512x128xf32>
    %sub3A_292 = arith.constant 5.000000e-01 : f32
    %sub3A_293 = vector.broadcast %sub3A_292 : f32 to vector<512x128xf32>
    %sub3A_294 = arith.subf %add3A_35, %sub3A_293 : vector<512x128xf32>
    %mul3A_295 = arith.mulf %sub3A_294, %log3A_288 : vector<512x128xf32>
    %sub3A_296 = arith.subf %mul3A_295, %add3A_35 : vector<512x128xf32>
    %add3A_297 = arith.constant 0.918938517 : f32
    %add3A_298 = vector.broadcast %add3A_297 : f32 to vector<512x128xf32>
    %add3A_299 = arith.addf %sub3A_296, %add3A_298 : vector<512x128xf32>
    %mul3A_300 = arith.mulf %div3A_291, %div3A_291 : vector<512x128xf32>
    %mul3A_301 = arith.constant 0.00277777785 : f32
    %mul3A_302 = vector.broadcast %mul3A_301 : f32 to vector<512x128xf32>
    %mul3A_303 = arith.mulf %mul3A_300, %mul3A_302 : vector<512x128xf32>
    %sub3A_304 = arith.constant 0.0833333358 : f32
    %sub3A_305 = vector.broadcast %sub3A_304 : f32 to vector<512x128xf32>
    %sub3A_306 = arith.subf %sub3A_305, %mul3A_303 : vector<512x128xf32>
    %mul3A_307 = arith.mulf %div3A_291, %sub3A_306 : vector<512x128xf32>
    %add3A_308 = arith.addf %add3A_299, %mul3A_307 : vector<512x128xf32>
    %sub3A_309 = arith.subf %add3A_287, %add3A_308 : vector<512x128xf32>
    %mul3A_310 = arith.constant 2.000000e+00 : f32
    %mul3A_311 = vector.broadcast %mul3A_310 : f32 to vector<512x128xf32>
    %mul3A_312 = arith.mulf %mul3A_311, %sub3A_309 : vector<512x128xf32>
    %sub3A_313 = arith.subf %mul3A_312, %add3A_55 : vector<512x128xf32>
    %sub3A_314 = arith.subf %sub3A_313, %add3A_90 : vector<512x128xf32>
    %add3A_315 = arith.addf %sub3A_314, %add3A_195 : vector<512x128xf32>
    %sub3A_316 = arith.subf %add3A_315, %add3A_125 : vector<512x128xf32>
    %sub3A_317 = arith.subf %sub3A_316, %add3A_160 : vector<512x128xf32>
    %add3A_318 = arith.addf %sub3A_317, %add3A_230 : vector<512x128xf32>
    %sub3A_319 = arith.subf %min3A_14, %mul3A_30 : vector<512x128xf32>
    %mul3A_320 = arith.mulf %sub3A_319, %add3A_69 : vector<512x128xf32>
    %add3A_321 = arith.addf %add3A_318, %mul3A_320 : vector<512x128xf32>
    %sub3A_322 = arith.subf %concatenate3A, %mul3A_34 : vector<512x128xf32>
    %mul3A_323 = arith.mulf %sub3A_322, %add3A_104 : vector<512x128xf32>
    %add3A_324 = arith.addf %add3A_321, %mul3A_323 : vector<512x128xf32>
    %sub3A_325 = arith.subf %add3A_35, %add3A_36 : vector<512x128xf32>
    %mul3A_326 = arith.mulf %sub3A_325, %add3A_209 : vector<512x128xf32>
    %add3A_327 = arith.addf %add3A_324, %mul3A_326 : vector<512x128xf32>
    %sub3A_328 = arith.subf %min3A_23, %mul3A_30 : vector<512x128xf32>
    %mul3A_329 = arith.mulf %sub3A_328, %add3A_139 : vector<512x128xf32>
    %add3A_330 = arith.addf %add3A_327, %mul3A_329 : vector<512x128xf32>
    %sub3A_331 = arith.subf %concatenate3A_27, %mul3A_34 : vector<512x128xf32>
    %mul3A_332 = arith.mulf %sub3A_331, %add3A_174 : vector<512x128xf32>
    %add3A_333 = arith.addf %add3A_330, %mul3A_332 : vector<512x128xf32>
    %sub3A_334 = arith.subf %add3A_35, %add3A_37 : vector<512x128xf32>
    %mul3A_335 = arith.mulf %sub3A_334, %add3A_244 : vector<512x128xf32>
    %add3A_336 = arith.addf %add3A_333, %mul3A_335 : vector<512x128xf32>
    %mul3A_337 = arith.constant 5.000000e-01 : f32
    %mul3A_338 = vector.broadcast %mul3A_337 : f32 to vector<512x128xf32>
    %mul3A_339 = arith.mulf %mul3A_338, %add3A_336 : vector<512x128xf32>
    %abs3A = math.absf %mul3A_339 : vector<512x128xf32>
    %max3A_340 = arith.constant 1.000000e-30 : f32
    %max3A_341 = vector.broadcast %max3A_340 : f32 to vector<512x128xf32>
    %max3A_342 = arith.maximumf %abs3A, %max3A_341 : vector<512x128xf32>
    %div3A_343 = arith.constant 1.000000e+00 : f32
    %div3A_344 = vector.broadcast %div3A_343 : f32 to vector<512x128xf32>
    %div3A_345 = arith.divf %div3A_344, %max3A_342 : vector<512x128xf32>
    %min3A_346 = arith.minimumf %abs3A, %div3A_345 : vector<512x128xf32>
    %mul3A_347 = arith.mulf %min3A_346, %min3A_346 : vector<512x128xf32>
    %mul3A_348 = arith.constant 2.083510e-02 : f32
    %mul3A_349 = vector.broadcast %mul3A_348 : f32 to vector<512x128xf32>
    %mul3A_350 = arith.mulf %mul3A_347, %mul3A_349 : vector<512x128xf32>
    %add3A_351 = arith.constant -8.513300e-02 : f32
    %add3A_352 = vector.broadcast %add3A_351 : f32 to vector<512x128xf32>
    %add3A_353 = arith.addf %add3A_352, %mul3A_350 : vector<512x128xf32>
    %mul3A_354 = arith.mulf %mul3A_347, %add3A_353 : vector<512x128xf32>
    %add3A_355 = arith.constant 1.801410e-01 : f32
    %add3A_356 = vector.broadcast %add3A_355 : f32 to vector<512x128xf32>
    %add3A_357 = arith.addf %add3A_356, %mul3A_354 : vector<512x128xf32>
    %mul3A_358 = arith.mulf %mul3A_347, %add3A_357 : vector<512x128xf32>
    %add3A_359 = arith.constant -0.330299497 : f32
    %add3A_360 = vector.broadcast %add3A_359 : f32 to vector<512x128xf32>
    %add3A_361 = arith.addf %add3A_360, %mul3A_358 : vector<512x128xf32>
    %mul3A_362 = arith.mulf %mul3A_347, %add3A_361 : vector<512x128xf32>
    %add3A_363 = arith.constant 9.998660e-01 : f32
    %add3A_364 = vector.broadcast %add3A_363 : f32 to vector<512x128xf32>
    %add3A_365 = arith.addf %add3A_364, %mul3A_362 : vector<512x128xf32>
    %mul3A_366 = arith.mulf %min3A_346, %add3A_365 : vector<512x128xf32>
    %gt3A = arith.constant 1.000000e+00 : f32
    %gt3A_367 = vector.broadcast %gt3A : f32 to vector<512x128xf32>
    %gt3A_368 = arith.cmpf ogt, %abs3A, %gt3A_367 : vector<512x128xf32>
    %sub3A_369 = arith.constant 1.57079637 : f32
    %sub3A_370 = vector.broadcast %sub3A_369 : f32 to vector<512x128xf32>
    %sub3A_371 = arith.subf %sub3A_370, %mul3A_366 : vector<512x128xf32>
    %select_n3A_372 = arith.select %gt3A_368, %sub3A_371, %mul3A_366 : vector<512x128xi1>, vector<512x128xf32>
    %sign3A = tpu.bitcast %mul3A_339 : vector<512x128xf32> -> vector<512x128xi32>
    %sign3A_373 = arith.constant -2147483648 : i32
    %sign3A_374 = vector.broadcast %sign3A_373 : i32 to vector<512x128xi32>
    %sign3A_375 = arith.andi %sign3A, %sign3A_374 : vector<512x128xi32>
    %sign3A_376 = arith.constant 1065353216 : i32
    %sign3A_377 = vector.broadcast %sign3A_376 : i32 to vector<512x128xi32>
    %sign3A_378 = arith.ori %sign3A_377, %sign3A_375 : vector<512x128xi32>
    %sign3A_379 = tpu.bitcast %sign3A_378 : vector<512x128xi32> -> vector<512x128xf32>
    %sign3A_380 = math.absf %mul3A_339 : vector<512x128xf32>
    %sign3A_381 = arith.constant 0.000000e+00 : f32
    %sign3A_382 = vector.broadcast %sign3A_381 : f32 to vector<512x128xf32>
    %sign3A_383 = arith.cmpf ogt, %sign3A_380, %sign3A_382 : vector<512x128xf32>
    %sign3A_384 = arith.select %sign3A_383, %sign3A_379, %mul3A_339 : vector<512x128xi1>, vector<512x128xf32>
    %mul3A_385 = arith.mulf %sign3A_384, %select_n3A_372 : vector<512x128xf32>
    %mul3A_386 = arith.constant 0.636619746 : f32
    %mul3A_387 = vector.broadcast %mul3A_386 : f32 to vector<512x128xf32>
    %mul3A_388 = arith.mulf %mul3A_387, %mul3A_385 : vector<512x128xf32>
    %abs3A_389 = math.absf %mul3A_388 : vector<512x128xf32>
    %get3A_390 = arith.constant 0 : index
    %get3A_391 = arith.constant 0 : index
    %get3A_392 = vector.load %arg5[%get3A_390, %get3A_391] : memref<128x4xf32, #tpu.memory_space<vmem>>, vector<128x4xf32>
    %dot_general3A = arith.constant dense<0.000000e+00> : vector<512x4xf32>
    %dot_general3A_393 = tpu.matmul %abs3A_389, %get3A_392, %dot_general3A {dimension_numbers = #tpu.dot_dimension_numbers<[1], [0], [0], [1], [0, 0, 1, 1], [], []>, transpose_lhs_hint = false} : vector<512x128xf32>, vector<128x4xf32>, vector<512x4xf32> -> vector<512x4xf32>
    %get3A_394 = arith.constant 0 : index
    %get3A_395 = arith.constant 0 : index
    %get3A_396 = vector.load %arg3[%get3A_394, %get3A_395] : memref<512x4xf32, #tpu.memory_space<vmem>>, vector<512x4xf32>
    %get3A_397 = arith.constant 0 : index
    %get3A_398 = arith.constant 0 : index
    %get3A_399 = vector.load %arg4[%get3A_397, %get3A_398] : memref<512x4xf32, #tpu.memory_space<vmem>>, vector<512x4xf32>
    %add3A_400 = arith.addf %get3A_396, %get3A_399 : vector<512x4xf32>
    %sub3A_401 = arith.subf %add3A_400, %dot_general3A_393 : vector<512x4xf32>
    %swap3A = arith.constant 0 : index
    %swap3A_402 = arith.constant 0 : index
    %swap3A_403 = vector.load %arg6[%swap3A, %swap3A_402] : memref<512x4xf32, #tpu.memory_space<vmem>>, vector<512x4xf32>
    tpu.vector_store %arg6[%swap3A, %swap3A_402], %sub3A_401 {strides = array<i32>} : memref<512x4xf32, #tpu.memory_space<vmem>>, vector<512x4xf32>,
    return
  }
  func.func @transform_0(%arg0: i32) -> (i32, i32) {
    %c0_i32 = arith.constant 0 : i32
    %c0_i32_0 = arith.constant 0 : i32
    return %arg0, %c0_i32 : i32, i32
  }
  func.func @transform_1(%arg0: i32) -> (i32, i32) {
    %c0_i32 = arith.constant 0 : i32
    %c0_i32_0 = arith.constant 0 : i32
    return %arg0, %c0_i32 : i32, i32
  }
  func.func @transform_2(%arg0: i32) -> (i32, i32) {
    %c0_i32 = arith.constant 0 : i32
    %c0_i32_0 = arith.constant 0 : i32
    return %arg0, %c0_i32 : i32, i32
  }
  func.func @transform_3(%arg0: i32) -> (i32, i32) {
    %c0_i32 = arith.constant 0 : i32
    %c0_i32_0 = arith.constant 0 : i32
    return %arg0, %c0_i32 : i32, i32
  }
  func.func @transform_4(%arg0: i32) -> (i32, i32) {
    %c0_i32 = arith.constant 0 : i32
    %c0_i32_0 = arith.constant 0 : i32
    %c0_i32_1 = arith.constant 0 : i32
    return %c0_i32, %c0_i32_0 : i32, i32
  }
  func.func @transform_5(%arg0: i32) -> (i32, i32) {
    %c0_i32 = arith.constant 0 : i32
    %c0_i32_0 = arith.constant 0 : i32
    return %arg0, %c0_i32 : i32, i32
  }
}

</mosaic_0001>

<sc_bundles>
// kernel: kernel.5.cloned.1.call-start
scs
__scs_entry_jumppad:
0x0: {  	(pc) =	sbr.rel $0x88, $3  }
0x1: {  	(tag) =	ssettag $0x0;
	lr =	simm.s32 $0x1  }
0x2: {  	[smem:$0x3F9C] =	sst lr;
	_ =	strace $0xD0000000  }
0x3: {  	_ = 	snop  }
0x4: {  	_ = 	snop  }
0x5: {  	_ = 	snop  }
0x6: {  	_ = 	snop  }
0x7: {  	_ = 	snop  }
__scs_overlays_trampoline_lowered:
0x8: {  	[smem:$0x3FAB] =	sst s0  }
0x9: {  	[smem:$0x3FAC] =	sst s1  }
0xa: {  	[smem:$0x3FAD] =	sst s2  }
0xb: {  	[smem:$0x3FAE] =	sst s3  }
0xc: {  	[smem:$0x3FAF] =	sst s4  }
0xd: {  	[smem:$0x3FB0] =	sst s5  }
0xe: {  	[smem:$0x3FB1] =	sst s6  }
0xf: {  	[smem:$0x3FB2] =	sst s7  }
0x10: {  	[smem:$0x3FB3] =	sst s8  }
0x11: {  	[smem:$0x3FB4] =	sst s9;
	s0 =	simm.s32 @!p0 $0x0  }
0x12: {  	s1 =	sld [smem:$0x3F9A];
	s0 =	simm.s32 @p0 $0x1  }
0x13: {  	[smem:$0x3FB5] =	sst s0;
	s0 =	simm.s32 @!p1 $0x0  }
0x14: {  	s2 =	sld [smem:$0x3F99];
	s0 =	simm.s32 @p1 $0x1  }
0x15: {  	[smem:$0x3FB6] =	sst s0;
	s0 =	simm.s32 @!p2 $0x0  }
0x16: {  	s3 =	sld [smem:$0x3FDB];
	s0 =	simm.s32 @p2 $0x1  }
0x17: {  	s4 =	simm.s32 $0x1BF5;
	[smem:$0x3FB8] =	sst s0  }
0x18: {  	s0 =	sld [smem:$0x3F9B];
	_ =	swait.ge [sflag:s4], $0x0  }
0x19: {  	s7 =	sld [smem:$0x3F9C]  }
0x1a: {  	s8 =	sadd.s32 $0xFFFFE003, lr  }
0x1b: {  	s9 =	sadd.s32 $0xFFFFFEF7, lr;
	s5 =	simm.s32 $0xFFFFFFFF;
	p2 =	slt.u32 s8, $0xFFFFF086  }
0x1c: {  	p1 =	slt.u32 s9, $0xF7A;
	s5 =	simm.s32 @!p2 $0x0  }
0x1d: {  	s5 =	simm.s32 @p1 $0x1;
	p0 =	seq.s32 s7, s2  }
0x1e: {  	s7 =	smul.u32 @!p0 $0xF7A, s2;
	p2 =	seq.s32 @!p0 s5, $0x0  }
0x1f: {  	s9 =	smul.u32 $0xF7A, s1;
	s8 =	simm.s32 @!p0 $0x1BF5;
	p2 =	por !p2, p0  }
0x20: {  	[sflag:s8] =	ssyncset.s32 @!p0 $0xFFFFF086;
	s6 =	sadd.s32 @!p0 s3, s7;
	s7 =	simm.s32 @!p0 $0x108  }
0x21: {  	s3 =	sadd.s32 s3, s9;
	s6 =	sadd.s32 @!p0 $0x88, s6;
	s7 =	simm.s32 @p2 $0x1082  }
0x22: {  	[simem:s7], [sflag:s8] =	dma.local @!p0 [hbm:s6], $0xF7A  }
0x23: {  	s9 =	sor.u32 $0xD0000000, s2;
	s6 =	simm.s32 $0x108;
	_ =	swait.ge @!p0 [sflag:s8], $0x0  }
0x24: {  	s3 =	sadd.s32 $0x88, s3;
	s6 =	simm.s32 @!p1 $0x1082;
	[sflag:s4] =	ssyncset.s32 $0xFFFFF086  }
0x25: {  	[simem:s6], [sflag:s4] =	dma.local [hbm:s3], $0xF7A  }
0x26: {  	[smem:$0x3F9C] =	sst s1;
	(tag) =	ssettag s2;
	_ =	strace s9  }
0x27: {  	s1 =	sld [smem:$0x3FAC]  }
0x28: {  	s2 =	sld [smem:$0x3FAD]  }
0x29: {  	s4 =	sld [smem:$0x3FAF]  }
0x2a: {  	p0 =	seq.s32 s5, $0x0;
	s5 =	sld [smem:$0x3FB0]  }
0x2b: {  	s6 =	sld [smem:$0x3FB1]  }
0x2c: {  	s7 =	sld [smem:$0x3FB2]  }
0x2d: {  	s3 =	simm.s32 $0x108;
	s8 =	sld [smem:$0x3FB3]  }
0x2e: {  	s3 =	simm.s32 @!p0 $0x1082;
	s9 =	sld [smem:$0x3FB4]  }
0x2f: {  	lr =	sadd.s32 s0, s3;
	s0 =	sld [smem:$0x3FAB]  }
0x30: {  	s3 =	sld [smem:$0x3FAE]  }
0x31: {  	[smem:$0x3FB7] =	sst s10  }
0x32: {  	s10 =	sld [smem:$0x3FB5];
	_ =	sdelay $0x3  }
0x33: {  	p0 =	seq.s32 s10, $0x1;
	s10 =	sld [smem:$0x3FB7];
	_ =	sdelay $0x3  }
0x34: {  	[smem:$0x3FB7] =	sst s10  }
0x35: {  	s10 =	sld [smem:$0x3FB6];
	_ =	sdelay $0x3  }
0x36: {  	p1 =	seq.s32 s10, $0x1;
	s10 =	sld [smem:$0x3FB7];
	_ =	sdelay $0x3  }
0x37: {  	[smem:$0x3FB7] =	sst s10  }
0x38: {  	s10 =	sld [smem:$0x3FB8]  }
0x39: {  	_ = 	snop;
	(pc) =	sbr.ind lr, $3  }
0x3a: {  	_ = 	snop  }
0x3b: {  	_ = 	snop  }
0x3c: {  	p2 =	seq.s32 s10, $0x1;
	s10 =	sld [smem:$0x3FB7]  }
0x3d: {  	_ =	shalt  }
0x3e: {  	_ =	shalt  }
0x3f: {  	_ =	shalt  }
0x40: {  	_ =	shalt  }
0x41: {  	_ =	shalt  }
0x42: {  	_ =	shalt  }
0x43: {  	_ =	shalt  }
0x44: {  	_ =	shalt  }
0x45: {  	_ =	shalt  }
0x46: {  	_ =	shalt  }
0x47: {  	_ =	shalt  }
0x48: {  	_ =	shalt  }
0x49: {  	_ =	shalt  }
0x4a: {  	_ =	shalt  }
0x4b: {  	_ =	shalt  }
0x4c: {  	_ =	shalt  }
0x4d: {  	_ =	shalt  }
0x4e: {  	_ =	shalt  }
0x4f: {  	_ =	shalt  }
0x50: {  	_ =	shalt  }
0x51: {  	_ =	shalt  }
0x52: {  	_ =	shalt  }
0x53: {  	_ =	shalt  }
0x54: {  	_ =	shalt  }
0x55: {  	_ =	shalt  }
0x56: {  	_ =	shalt  }
0x57: {  	_ =	shalt  }
0x58: {  	_ =	shalt  }
0x59: {  	_ =	shalt  }
0x5a: {  	_ =	shalt  }
0x5b: {  	_ =	shalt  }
0x5c: {  	_ =	shalt  }
0x5d: {  	_ =	shalt  }
0x5e: {  	_ =	shalt  }
0x5f: {  	_ =	shalt  }
0x60: {  	_ =	shalt  }
0x61: {  	_ =	shalt  }
0x62: {  	_ =	shalt  }
0x63: {  	_ =	shalt  }
0x64: {  	_ =	shalt  }
0x65: {  	_ =	shalt  }
0x66: {  	_ =	shalt  }
0x67: {  	_ =	shalt  }
0x68: {  	_ =	shalt  }
0x69: {  	_ =	shalt  }
0x6a: {  	_ =	shalt  }
0x6b: {  	_ =	shalt  }
0x6c: {  	_ =	shalt  }
0x6d: {  	_ =	shalt  }
0x6e: {  	_ =	shalt  }
0x6f: {  	_ =	shalt  }
0x70: {  	_ =	shalt  }
0x71: {  	_ =	shalt  }
0x72: {  	_ =	shalt  }
0x73: {  	_ =	shalt  }
0x74: {  	_ =	shalt  }
0x75: {  	_ =	shalt  }
0x76: {  	_ =	shalt  }
0x77: {  	_ =	shalt  }
0x78: {  	_ =	shalt  }
0x79: {  	_ =	shalt  }
0x7a: {  	_ =	shalt  }
0x7b: {  	_ =	shalt  }
0x7c: {  	_ =	shalt  }
0x7d: {  	_ =	shalt  }
0x7e: {  	_ =	shalt  }
0x7f: {  	_ =	shalt  }
0x80: {  	_ =	shalt  }
0x81: {  	_ =	shalt  }
0x82: {  	_ =	shalt  }
0x83: {  	_ =	shalt  }
0x84: {  	_ =	shalt  }
0x85: {  	_ =	shalt  }
0x86: {  	_ =	shalt  }
0x87: {  	_ =	shalt  }
.Lfunc_end0:
.L_simem_size_0:
called_computation_lowered:
.L_overlay_start_0:
0x88: {  	s2 =	sld [smem:$0x3FD9]  }
0x89: {  	s3 =	sld [smem:$0x3FFE];
	_ =	sdelay $0x1  }
0x8a: {  	s1 =	srdreg.scid  }
0x8b: {  	s0 =	sand.u32 $0x1, s1  }
0x8c: {  	s17 =	sshll.u32 s0, $0xA;
	s2 =	sadd.s32 s3, s2  }
0x8d: {  	s2 =	sadd.s32 s2, s17  }
0x8e: {  	[smem:$0x3FC3] =	sst s2  }
0x8f: {  	_ = 	snop  }
0x90: {  	s2 =	sld [smem:$0x3FC8];
	(tm) =	ssettm $0x1  }
0x91: {  	s18 =	sld [smem:$0x3FFB];
	_ =	sdelay $0x3  }
0x92: {  	_ =	strace s18  }
0x93: {  	s3 =	sld [smem:$0x3FFC];
	_ =	sdelay $0x3  }
0x94: {  	_ =	strace s3  }
0x95: {  	s3 =	sld [smem:$0x3FFD];
	_ =	sdelay $0x3  }
0x96: {  	_ =	strace s3  }
0x97: {  	_ =	strace $0x8FFFFFFF  }
0x98: {  	s19 =	sld [smem:$0x3FDB];
	_ =	sdelay $0x1  }
0x99: {  	s4 =	simm.s32 $_scs_section_size  }
0x9a: {  	s5 =	simm.s32 $_size__tile_overlayer_lowered;
	s6 =	simm.s32 $_tile_overlayer_lowered  }
0x9b: {  	s22 =	simm.s32 $0x1BFF;
	s21 =	sshll.u32 s6, $0x1;
	s3 =	sadd.s32 s4, s19  }
0x9c: {  	s7 =	simm.s32 $0x0;
	s20 =	sshll.u32 s5, $0x1;
	s5 =	sadd.s32 s21, s3  }
0x9d: {  	[timem:s7], [sflag:s22] =	dma.local [hbm:s5], s20  }
0x9e: {  	_ =	swait.ge [sflag:s22], s20  }
0x9f: {  	s4 =	ssub.s32 $0x0, s20;
	[sflag:s22] =	ssyncset.done $0x0  }
0xa0: {  	[sflag:s22] =	ssyncadd.s32 s4;
	_ =	sdelay $0x1  }
0xa1: {  	s23 =	simm.s32 $0x1B8B  }
0xa2: {  	_ =	swait.ge [sflag:s23], $0x1  }
0xa3: {  	[sflag:s23] =	ssyncset.done $0x0  }
0xa4: {  	s25 =	simm.s32 $0x1B8E;
	s24 =	sld [smem:$0x3FFE];
	[sflag:s23] =	ssyncadd.s32 $0xFFFFFFFF  }
0xa5: {  	s26 =	simm.s32 $execute0_lowered;
	[smem:$0x3FD2] =	sst s25  }
0xa6: {  	s5 =	sshll.u32 s26, $0x1;
	_ =	strace $0x80000046;
	[dreg:$0x1] =	wrdreg $0xFFFFFFFF  }
0xa7: {  	s28 =	simm.s32 $_size_execute0_lowered;
	s3 =	sadd.s32 s3, s5;
	[dreg:$0x0] =	wrdreg $0x0  }
0xa8: {  	s5 =	sshll.u32 s28, $0x1;
	[dreg:$0x2] =	wrdreg s3  }
0xa9: {  	[dreg:$0x3] =	wrdreg s5  }
0xaa: {  	[dreg:$0x4] =	wrdreg $0xC0  }
0xab: {  	_ =	task [dreg:s7], $0x5FFFF  }
0xac: {  	[dreg:$0x1] =	wrdreg $0xFFFFFFFF  }
0xad: {  	[dreg:$0x0] =	wrdreg $0x60  }
0xae: {  	[dreg:$0x2] =	wrdreg s24  }
0xaf: {  	[dreg:$0x3] =	wrdreg s2  }
0xb0: {  	[dreg:$0x4] =	wrdreg $0x9  }
0xb1: {  	_ =	task.clear_ibuf [dreg:s7], $0x5FFFF;
	_ =	strace $0x90000046  }
0xb2: {  	s29 =	simm.s32 $0x9;
	_ =	strace $0x80000048  }
0xb3: {  	_ =	swait.ge [sflag:s29], $0x1  }
0xb4: {  	[sflag:s29] =	ssyncadd.s32 $0xFFFFFFFF  }
0xb5: {  	_ =	strace $0x90000048  }
0xb6: {  	_ =	sfence  }
0xb7: {  	s30 =	sld [smem:$0x0];
	_ =	sdelay $0x2  }
0xb8: {  	s31 =	sshll.u32 s1, $0xD;
	s1 =	sshrl.u32 s1, $0x2  }
0xb9: {  	s3 =	sand.u32 $0x4000, s31;
	s1 =	sadd.s32 s1, s30  }
0xba: {  	s0 =	sor.u32 s3, s0;
	s1 =	sshll.u32 s1, $0x11  }
0xbb: {  	s0 =	sor.u32 s1, s0  }
0xbc: {  	s0 =	sadd.s32 $0x8F2B, s0  }
0xbd: {  	[sflag:s0] =	ssyncadd.remote.s32 $0x1  }
0xbe: {  	_ =	sfence.sel $0xFFFF  }
0xbf: {  	[dreg:$0x0] =	wrdreg $0xFFFFFFFF;
	(pc) =	sbr.abs _section_cstart, $3  }
0xc0: {  	[dreg:$0x1] =	wrdreg $0xFFFFFFFF  }
0xc1: {  	_ =	task.clear_ibuf [dreg:s7], $0x2FFFF;
	_ =	strace $0x9FFFFFFF  }
0xc2: {  	(tm) =	ssettm $0x7FFFFFFF  }
0xc3: {  	_ =	shalt  }
tec
execute0_lowered:
.L_overlay_start_1:
0x0: {  	(tag) =	ssettag $0x1  }
0x1: {  	s1 =	srdreg.scid;
	s0 =	stileid.u32  }
0x2: {  	s22 =	rddreg [dreg:$0x0];
	s20 =	sand.u32 $0x1, s1;
	s29 =	sshll.u32 s0, $0x1  }
0x3: {  	s2 =	rddreg [dreg:$0x1];
	s23 =	sor.u32 s20, s29  }
0x4: {  	s3 =	simm.s32 $0x0;
	s1 =	rddreg [dreg:$0x2];
	s4 =	sshll.u32 s23, $0x6  }
0x5: {  	[smem:$0x7FF] =	sst s3;
	s21 =	sadd.s32 s4, s22  }
0x6: {  	_ =	strace $0x80000047;
	s4 =	simm.s32 $0x3;
	s5 =	sadd.s32 $0x1800, s21  }
0x7: {  	[tilespmem:s3], [sflag:$0x3] =	stream.linear.gather [hbm4b:s5+s3], $0x200, $0x38;
	[tilespmem:$0x4400] =	vst v63  }
0x8: {  	_ =	swait.ge [sflag:s4], $0x200  }
0x9: {  	s7 =	simm.s32 $0x80;
	[sflag:s4] =	ssyncset.done $0x0  }
0xa: {  	s8 =	simm.s32 $0x200;
	s6 =	sadd.s32 $0xF44400, s22;
	[sflag:s4] =	ssyncadd.s32 $0xFFFFFE00  }
0xb: {  	[tilespmem:s8], [sflag:$0x1] =	stream.indirect.gather [hbm4b:s6+s7], $0x20, s3, s7, $0xb8;
	[tilespmem:$0x4400] =	vst v63  }
0xc: {  	s9 =	simm.s32 $0x4200  }
0xd: {  	[tilespmem:s9], [sflag:$0x2] =	stream.indirect.gather [hbm4b:s2+s7], $0x1, s3, s7, $0xb8;
	[tilespmem:$0x4400] =	vst v63  }
0xe: {  	s10 =	simm.s32 $0x1200  }
0xf: {  	[tilespmem:s10], [sflag:$0x1] =	stream.indirect.gather [hbm4b:s6+s7], $0x20, s7, s7, $0xb8;
	[tilespmem:$0x4400] =	vst v63  }
0x10: {  	s11 =	simm.s32 $0x4280  }
0x11: {  	[tilespmem:s11], [sflag:$0x2] =	stream.indirect.gather [hbm4b:s2+s7], $0x1, s7, s7, $0xb8;
	[tilespmem:$0x4400] =	vst v63  }
0x12: {  	s12 =	simm.s32 $0x100;
	s13 =	simm.s32 $0x2200  }
0x13: {  	[tilespmem:s13], [sflag:$0x1] =	stream.indirect.gather [hbm4b:s6+s7], $0x20, s12, s7, $0xb8;
	[tilespmem:$0x4400] =	vst v63  }
0x14: {  	s14 =	simm.s32 $0x4300  }
0x15: {  	[tilespmem:s14], [sflag:$0x2] =	stream.indirect.gather [hbm4b:s2+s7], $0x1, s12, s7, $0xb8;
	[tilespmem:$0x4400] =	vst v63  }
0x16: {  	s15 =	simm.s32 $0x180;
	s16 =	simm.s32 $0x3200  }
0x17: {  	[tilespmem:s16], [sflag:$0x1] =	stream.indirect.gather [hbm4b:s6+s7], $0x20, s15, s7, $0xb8;
	[tilespmem:$0x4400] =	vst v63  }
0x18: {  	s17 =	simm.s32 $0x4380;
	s18 =	simm.s32 $0x1  }
0x19: {  	[tilespmem:s17], [sflag:$0x2] =	stream.indirect.gather [hbm4b:s2+s7], $0x1, s15, s7, $0xb8;
	[tilespmem:$0x4400] =	vst v63  }
0x1a: {  	_ =	swait.ge [sflag:s18], $0x1000  }
0x1b: {  	[sflag:s18] =	ssyncset.done $0x0  }
0x1c: {  	s19 =	simm.s32 $0x2;
	[sflag:s18] =	ssyncadd.s32 $0xFFFFF000  }
0x1d: {  	_ =	swait.ge [sflag:s19], $0x80  }
0x1e: {  	[sflag:s19] =	ssyncset.done $0x0  }
0x1f: {  	[sflag:s19] =	ssyncadd.s32 $0xFFFFFF80  }
0x20: {  	_ =	swait.ge [sflag:s18], $0x1000  }
0x21: {  	[sflag:s18] =	ssyncset.done $0x0  }
0x22: {  	[sflag:s18] =	ssyncadd.s32 $0xFFFFF000  }
0x23: {  	_ =	swait.ge [sflag:s19], $0x80  }
0x24: {  	[sflag:s19] =	ssyncset.done $0x0  }
0x25: {  	[sflag:s19] =	ssyncadd.s32 $0xFFFFFF80  }
0x26: {  	_ =	swait.ge [sflag:s18], $0x1000  }
0x27: {  	[sflag:s18] =	ssyncset.done $0x0  }
0x28: {  	[sflag:s18] =	ssyncadd.s32 $0xFFFFF000  }
0x29: {  	_ =	swait.ge [sflag:s19], $0x80  }
0x2a: {  	[sflag:s19] =	ssyncset.done $0x0  }
0x2b: {  	[sflag:s19] =	ssyncadd.s32 $0xFFFFFF80  }
0x2c: {  	_ =	swait.ge [sflag:s18], $0x1000  }
0x2d: {  	[sflag:s18] =	ssyncset.done $0x0  }
0x2e: {  	s30 =	ssub.s32 $0x2, s20;
	s23 =	sshll.u32 s23, $0xB;
	[sflag:s18] =	ssyncadd.s32 $0xFFFFF000  }
0x2f: {  	s31 =	sshrl.u32 s30, $0x1;
	s22 =	sadd.s32 s23, s22;
	_ =	swait.ge [sflag:s19], $0x80  }
0x30: {  	s20 =	sadd.s32 $0x2800, s22;
	s22 =	ssub.s32 s30, s31;
	[sflag:s19] =	ssyncset.done $0x0  }
0x31: {  	s22 =	smax.u32 s22, $0x1;
	[sflag:s19] =	ssyncadd.s32 $0xFFFFFF80  }
0x32: {  	[hbm4b:s20+s3] =	stream.linear.scatter [tilespmem:s8], [sflag:$0x3], $0x4000, $0x38;
	[tilespmem:$0x4400] =	vst v63  }
0x33: {  	p0 =	sne.s32 s22, $0x1;
	_ =	swait.ge [sflag:s4], $0x4000  }
.Ltmp0:
0x34: {  	[sflag:s4] =	ssyncset.done $0x0;
	(pc) =	sbr.rel @!p0 .LBB2_2-.Ltmp0, $4  }
0x35: {  	s21 =	sadd.s32 $0x2000, s21;
	[sflag:s4] =	ssyncadd.s32 $0xFFFFC000  }
0x36: {  	[hbm4b:s21+s3] =	stream.linear.scatter [tilespmem:s9], [sflag:$0x3], $0x200, $0x38;
	[tilespmem:$0x4400] =	vst v63  }
0x37: {  	_ =	swait.ge [sflag:s4], $0x200  }
0x38: {  	s22 =	sadd.s32 $0xFFFFFFFF, s22;
	[sflag:s4] =	ssyncset.done $0x0  }
.LBB2_1:
0x39: {  	p0 =	sne.s32 s22, $0x1;
	s22 =	sadd.s32 $0xFFFFFFFF, s22;
	[sflag:s4] =	ssyncadd.s32 $0xFFFFFE00  }
0x3a: {  	[tilespmem:s3], [sflag:$0x3] =	stream.linear.gather [hbm4b:s5+s3], $0x200, $0x38;
	[tilespmem:$0x4400] =	vst v63  }
0x3b: {  	_ =	swait.ge [sflag:s4], $0x200  }
0x3c: {  	[sflag:s4] =	ssyncset.done $0x0  }
0x3d: {  	[sflag:s4] =	ssyncadd.s32 $0xFFFFFE00  }
0x3e: {  	[tilespmem:s8], [sflag:$0x1] =	stream.indirect.gather [hbm4b:s6+s7], $0x20, s3, s7, $0xb8;
	[tilespmem:$0x4400] =	vst v63  }
0x3f: {  	_ = 	snop  }
0x40: {  	[tilespmem:s9], [sflag:$0x2] =	stream.indirect.gather [hbm4b:s2+s7], $0x1, s3, s7, $0xb8;
	[tilespmem:$0x4400] =	vst v63  }
0x41: {  	_ = 	snop  }
0x42: {  	[tilespmem:s10], [sflag:$0x1] =	stream.indirect.gather [hbm4b:s6+s7], $0x20, s7, s7, $0xb8;
	[tilespmem:$0x4400] =	vst v63  }
0x43: {  	_ = 	snop  }
0x44: {  	[tilespmem:s11], [sflag:$0x2] =	stream.indirect.gather [hbm4b:s2+s7], $0x1, s7, s7, $0xb8;
	[tilespmem:$0x4400] =	vst v63  }
0x45: {  	_ = 	snop  }
0x46: {  	[tilespmem:s13], [sflag:$0x1] =	stream.indirect.gather [hbm4b:s6+s7], $0x20, s12, s7, $0xb8;
	[tilespmem:$0x4400] =	vst v63  }
0x47: {  	_ = 	snop  }
0x48: {  	[tilespmem:s14], [sflag:$0x2] =	stream.indirect.gather [hbm4b:s2+s7], $0x1, s12, s7, $0xb8;
	[tilespmem:$0x4400] =	vst v63  }
0x49: {  	_ = 	snop  }
0x4a: {  	[tilespmem:s16], [sflag:$0x1] =	stream.indirect.gather [hbm4b:s6+s7], $0x20, s15, s7, $0xb8;
	[tilespmem:$0x4400] =	vst v63  }
0x4b: {  	_ = 	snop  }
0x4c: {  	[tilespmem:s17], [sflag:$0x2] =	stream.indirect.gather [hbm4b:s2+s7], $0x1, s15, s7, $0xb8;
	[tilespmem:$0x4400] =	vst v63  }
0x4d: {  	_ =	swait.ge [sflag:s18], $0x1000  }
0x4e: {  	[sflag:s18] =	ssyncset.done $0x0  }
0x4f: {  	[sflag:s18] =	ssyncadd.s32 $0xFFFFF000  }
0x50: {  	_ =	swait.ge [sflag:s19], $0x80  }
0x51: {  	[sflag:s19] =	ssyncset.done $0x0  }
0x52: {  	[sflag:s19] =	ssyncadd.s32 $0xFFFFFF80  }
0x53: {  	_ =	swait.ge [sflag:s18], $0x1000  }
0x54: {  	[sflag:s18] =	ssyncset.done $0x0  }
0x55: {  	[sflag:s18] =	ssyncadd.s32 $0xFFFFF000  }
0x56: {  	_ =	swait.ge [sflag:s19], $0x80  }
0x57: {  	[sflag:s19] =	ssyncset.done $0x0  }
0x58: {  	[sflag:s19] =	ssyncadd.s32 $0xFFFFFF80  }
0x59: {  	_ =	swait.ge [sflag:s18], $0x1000  }
0x5a: {  	[sflag:s18] =	ssyncset.done $0x0  }
0x5b: {  	[sflag:s18] =	ssyncadd.s32 $0xFFFFF000  }
0x5c: {  	_ =	swait.ge [sflag:s19], $0x80  }
0x5d: {  	[sflag:s19] =	ssyncset.done $0x0  }
0x5e: {  	[sflag:s19] =	ssyncadd.s32 $0xFFFFFF80  }
0x5f: {  	_ =	swait.ge [sflag:s18], $0x1000  }
0x60: {  	[sflag:s18] =	ssyncset.done $0x0  }
0x61: {  	[sflag:s18] =	ssyncadd.s32 $0xFFFFF000  }
0x62: {  	_ =	swait.ge [sflag:s19], $0x80  }
0x63: {  	[sflag:s19] =	ssyncset.done $0x0  }
0x64: {  	[sflag:s19] =	ssyncadd.s32 $0xFFFFFF80  }
0x65: {  	[hbm4b:s20+s3] =	stream.linear.scatter [tilespmem:s8], [sflag:$0x3], $0x4000, $0x38;
	[tilespmem:$0x4400] =	vst v63  }
0x66: {  	_ =	swait.ge [sflag:s4], $0x4000  }
.Ltmp1:
0x67: {  	[sflag:s4] =	ssyncset.done $0x0;
	(pc) =	sbr.rel @p0 .LBB2_1-.Ltmp1, $4  }
0x68: {  	[sflag:s4] =	ssyncadd.s32 $0xFFFFC000  }
0x69: {  	[hbm4b:s21+s3] =	stream.linear.scatter [tilespmem:s9], [sflag:$0x3], $0x200, $0x38;
	[tilespmem:$0x4400] =	vst v63  }
0x6a: {  	_ =	swait.ge [sflag:s4], $0x200  }
0x6b: {  	[sflag:s4] =	ssyncset.done $0x0  }
.LBB2_2:
0x6c: {  	[sflag:s4] =	ssyncadd.s32 $0xFFFFFE00  }
0x6d: {  	_ =	sfence.sel $0x180000  }
0x6e: {  	[bflag:$0x0] =	sbarrier.arrive $0xFFFF  }
0x6f: {  	p0 =	sne.s32 s0, $0x0;
	_ =	strace $0x90000047  }
0x70: {  	s0 =	sadd.s32 @!p0 $0x100000, s1;
	[bflag:$0x2] =	sbarrier.arrive $0xFFFF  }
0x71: {  	[sflag:s0] =	ssyncadd.tile.s32 @!p0 $0x1;
	_ =	shalt  }
.Lfunc_end2:
_tile_overlayer_lowered:
.L_overlay_start_2:
0x72: {  	(tag) =	ssettag $0x2  }
0x73: {  	s0 =	rddreg [dreg:$0x0];
	s2 =	stileid.u32  }
0x74: {  	s1 =	rddreg [dreg:$0x1];
	p0 =	sne.s32 s2, $0x0  }
0x75: {  	s3 =	rddreg [dreg:$0x2];
	[bflag:$0x3] =	sbarrier.arrive $0xFFFF;
	s2 =	simm.s32 @!p0 $0x1C03  }
0x76: {  	[timem:s3], [sflag:s2] =	dma.local @!p0 [hbm:s0], s1  }
0x77: {  	s0 =	simm.s32 @!p0 $0x3  }
0x78: {  	_ =	swait.ge @!p0 [sflag:s0], s1  }
0x79: {  	s1 =	ssub.s32 @!p0 $0x0, s1;
	[sflag:s0] =	ssyncset.done @!p0 $0x0  }
0x7a: {  	[sflag:s0] =	ssyncadd.s32 @!p0 s1  }
0x7b: {  	[bflag:$0x3] =	sbarrier.arrive $0xFFFF  }
0x7c: {  	_ =	shalt  }

// kernel: kernel.8.cloned.1.call-start
scs
__scs_entry_jumppad:
0x0: {  	(pc) =	sbr.rel $0x88, $3  }
0x1: {  	(tag) =	ssettag $0x0;
	lr =	simm.s32 $0x1  }
0x2: {  	[smem:$0x3F9C] =	sst lr;
	_ =	strace $0xD0000000  }
0x3: {  	_ = 	snop  }
0x4: {  	_ = 	snop  }
0x5: {  	_ = 	snop  }
0x6: {  	_ = 	snop  }
0x7: {  	_ = 	snop  }
__scs_overlays_trampoline_lowered:
0x8: {  	[smem:$0x3FAB] =	sst s0  }
0x9: {  	[smem:$0x3FAC] =	sst s1  }
0xa: {  	[smem:$0x3FAD] =	sst s2  }
0xb: {  	[smem:$0x3FAE] =	sst s3  }
0xc: {  	[smem:$0x3FAF] =	sst s4  }
0xd: {  	[smem:$0x3FB0] =	sst s5  }
0xe: {  	[smem:$0x3FB1] =	sst s6  }
0xf: {  	[smem:$0x3FB2] =	sst s7  }
0x10: {  	[smem:$0x3FB3] =	sst s8  }
0x11: {  	[smem:$0x3FB4] =	sst s9;
	s0 =	simm.s32 @!p0 $0x0  }
0x12: {  	s1 =	sld [smem:$0x3F9A];
	s0 =	simm.s32 @p0 $0x1  }
0x13: {  	[smem:$0x3FB5] =	sst s0;
	s0 =	simm.s32 @!p1 $0x0  }
0x14: {  	s2 =	sld [smem:$0x3F99];
	s0 =	simm.s32 @p1 $0x1  }
0x15: {  	[smem:$0x3FB6] =	sst s0;
	s0 =	simm.s32 @!p2 $0x0  }
0x16: {  	s3 =	sld [smem:$0x3FDB];
	s0 =	simm.s32 @p2 $0x1  }
0x17: {  	s4 =	simm.s32 $0x1BF5;
	[smem:$0x3FB8] =	sst s0  }
0x18: {  	s0 =	sld [smem:$0x3F9B];
	_ =	swait.ge [sflag:s4], $0x0  }
0x19: {  	s7 =	sld [smem:$0x3F9C]  }
0x1a: {  	s8 =	sadd.s32 $0xFFFFE003, lr  }
0x1b: {  	s9 =	sadd.s32 $0xFFFFFEF7, lr;
	s5 =	simm.s32 $0xFFFFFFFF;
	p2 =	slt.u32 s8, $0xFFFFF086  }
0x1c: {  	p1 =	slt.u32 s9, $0xF7A;
	s5 =	simm.s32 @!p2 $0x0  }
0x1d: {  	s5 =	simm.s32 @p1 $0x1;
	p0 =	seq.s32 s7, s2  }
0x1e: {  	s7 =	smul.u32 @!p0 $0xF7A, s2;
	p2 =	seq.s32 @!p0 s5, $0x0  }
0x1f: {  	s9 =	smul.u32 $0xF7A, s1;
	s8 =	simm.s32 @!p0 $0x1BF5;
	p2 =	por !p2, p0  }
0x20: {  	[sflag:s8] =	ssyncset.s32 @!p0 $0xFFFFF086;
	s6 =	sadd.s32 @!p0 s3, s7;
	s7 =	simm.s32 @!p0 $0x108  }
0x21: {  	s3 =	sadd.s32 s3, s9;
	s6 =	sadd.s32 @!p0 $0x88, s6;
	s7 =	simm.s32 @p2 $0x1082  }
0x22: {  	[simem:s7], [sflag:s8] =	dma.local @!p0 [hbm:s6], $0xF7A  }
0x23: {  	s9 =	sor.u32 $0xD0000000, s2;
	s6 =	simm.s32 $0x108;
	_ =	swait.ge @!p0 [sflag:s8], $0x0  }
0x24: {  	s3 =	sadd.s32 $0x88, s3;
	s6 =	simm.s32 @!p1 $0x1082;
	[sflag:s4] =	ssyncset.s32 $0xFFFFF086  }
0x25: {  	[simem:s6], [sflag:s4] =	dma.local [hbm:s3], $0xF7A  }
0x26: {  	[smem:$0x3F9C] =	sst s1;
	(tag) =	ssettag s2;
	_ =	strace s9  }
0x27: {  	s1 =	sld [smem:$0x3FAC]  }
0x28: {  	s2 =	sld [smem:$0x3FAD]  }
0x29: {  	s4 =	sld [smem:$0x3FAF]  }
0x2a: {  	p0 =	seq.s32 s5, $0x0;
	s5 =	sld [smem:$0x3FB0]  }
0x2b: {  	s6 =	sld [smem:$0x3FB1]  }
0x2c: {  	s7 =	sld [smem:$0x3FB2]  }
0x2d: {  	s3 =	simm.s32 $0x108;
	s8 =	sld [smem:$0x3FB3]  }
0x2e: {  	s3 =	simm.s32 @!p0 $0x1082;
	s9 =	sld [smem:$0x3FB4]  }
0x2f: {  	lr =	sadd.s32 s0, s3;
	s0 =	sld [smem:$0x3FAB]  }
0x30: {  	s3 =	sld [smem:$0x3FAE]  }
0x31: {  	[smem:$0x3FB7] =	sst s10  }
0x32: {  	s10 =	sld [smem:$0x3FB5];
	_ =	sdelay $0x3  }
0x33: {  	p0 =	seq.s32 s10, $0x1;
	s10 =	sld [smem:$0x3FB7];
	_ =	sdelay $0x3  }
0x34: {  	[smem:$0x3FB7] =	sst s10  }
0x35: {  	s10 =	sld [smem:$0x3FB6];
	_ =	sdelay $0x3  }
0x36: {  	p1 =	seq.s32 s10, $0x1;
	s10 =	sld [smem:$0x3FB7];
	_ =	sdelay $0x3  }
0x37: {  	[smem:$0x3FB7] =	sst s10  }
0x38: {  	s10 =	sld [smem:$0x3FB8]  }
0x39: {  	_ = 	snop;
	(pc) =	sbr.ind lr, $3  }
0x3a: {  	_ = 	snop  }
0x3b: {  	_ = 	snop  }
0x3c: {  	p2 =	seq.s32 s10, $0x1;
	s10 =	sld [smem:$0x3FB7]  }
0x3d: {  	_ =	shalt  }
0x3e: {  	_ =	shalt  }
0x3f: {  	_ =	shalt  }
0x40: {  	_ =	shalt  }
0x41: {  	_ =	shalt  }
0x42: {  	_ =	shalt  }
0x43: {  	_ =	shalt  }
0x44: {  	_ =	shalt  }
0x45: {  	_ =	shalt  }
0x46: {  	_ =	shalt  }
0x47: {  	_ =	shalt  }
0x48: {  	_ =	shalt  }
0x49: {  	_ =	shalt  }
0x4a: {  	_ =	shalt  }
0x4b: {  	_ =	shalt  }
0x4c: {  	_ =	shalt  }
0x4d: {  	_ =	shalt  }
0x4e: {  	_ =	shalt  }
0x4f: {  	_ =	shalt  }
0x50: {  	_ =	shalt  }
0x51: {  	_ =	shalt  }
0x52: {  	_ =	shalt  }
0x53: {  	_ =	shalt  }
0x54: {  	_ =	shalt  }
0x55: {  	_ =	shalt  }
0x56: {  	_ =	shalt  }
0x57: {  	_ =	shalt  }
0x58: {  	_ =	shalt  }
0x59: {  	_ =	shalt  }
0x5a: {  	_ =	shalt  }
0x5b: {  	_ =	shalt  }
0x5c: {  	_ =	shalt  }
0x5d: {  	_ =	shalt  }
0x5e: {  	_ =	shalt  }
0x5f: {  	_ =	shalt  }
0x60: {  	_ =	shalt  }
0x61: {  	_ =	shalt  }
0x62: {  	_ =	shalt  }
0x63: {  	_ =	shalt  }
0x64: {  	_ =	shalt  }
0x65: {  	_ =	shalt  }
0x66: {  	_ =	shalt  }
0x67: {  	_ =	shalt  }
0x68: {  	_ =	shalt  }
0x69: {  	_ =	shalt  }
0x6a: {  	_ =	shalt  }
0x6b: {  	_ =	shalt  }
0x6c: {  	_ =	shalt  }
0x6d: {  	_ =	shalt  }
0x6e: {  	_ =	shalt  }
0x6f: {  	_ =	shalt  }
0x70: {  	_ =	shalt  }
0x71: {  	_ =	shalt  }
0x72: {  	_ =	shalt  }
0x73: {  	_ =	shalt  }
0x74: {  	_ =	shalt  }
0x75: {  	_ =	shalt  }
0x76: {  	_ =	shalt  }
0x77: {  	_ =	shalt  }
0x78: {  	_ =	shalt  }
0x79: {  	_ =	shalt  }
0x7a: {  	_ =	shalt  }
0x7b: {  	_ =	shalt  }
0x7c: {  	_ =	shalt  }
0x7d: {  	_ =	shalt  }
0x7e: {  	_ =	shalt  }
0x7f: {  	_ =	shalt  }
0x80: {  	_ =	shalt  }
0x81: {  	_ =	shalt  }
0x82: {  	_ =	shalt  }
0x83: {  	_ =	shalt  }
0x84: {  	_ =	shalt  }
0x85: {  	_ =	shalt  }
0x86: {  	_ =	shalt  }
0x87: {  	_ =	shalt  }
.Lfunc_end0:
.L_simem_size_0:
called_computation.1_lowered:
.L_overlay_start_0:
0x88: {  	s2 =	sld [smem:$0x3FD9]  }
0x89: {  	s3 =	sld [smem:$0x3FFE];
	_ =	sdelay $0x1  }
0x8a: {  	s1 =	srdreg.scid  }
0x8b: {  	s0 =	sand.u32 $0x1, s1  }
0x8c: {  	s17 =	sshll.u32 s0, $0xA;
	s2 =	sadd.s32 s3, s2  }
0x8d: {  	s2 =	sadd.s32 s2, s17  }
0x8e: {  	[smem:$0x3FC3] =	sst s2  }
0x8f: {  	_ = 	snop  }
0x90: {  	s18 =	sld [smem:$0x3FC7]  }
0x91: {  	s4 =	sld [smem:$0x3FD0];
	(tm) =	ssettm $0x1  }
0x92: {  	s19 =	sld [smem:$0x3FFB];
	_ =	sdelay $0x3  }
0x93: {  	_ =	strace s19  }
0x94: {  	s2 =	sld [smem:$0x3FFC];
	_ =	sdelay $0x3  }
0x95: {  	_ =	strace s2  }
0x96: {  	s2 =	sld [smem:$0x3FFD];
	_ =	sdelay $0x3  }
0x97: {  	_ =	strace s2  }
0x98: {  	_ =	strace $0x8FFFFFFF  }
0x99: {  	s20 =	sld [smem:$0x3FDB];
	_ =	sdelay $0x1  }
0x9a: {  	s5 =	simm.s32 $_scs_section_size  }
0x9b: {  	s6 =	simm.s32 $_size__tile_overlayer_lowered;
	s7 =	simm.s32 $_tile_overlayer_lowered  }
0x9c: {  	s8 =	simm.s32 $0x1BFF;
	s21 =	sshll.u32 s7, $0x1;
	s5 =	sadd.s32 s5, s20  }
0x9d: {  	s22 =	simm.s32 $0x0;
	s6 =	sshll.u32 s6, $0x1;
	s7 =	sadd.s32 s21, s5  }
0x9e: {  	[timem:s22], [sflag:s8] =	dma.local [hbm:s7], s6  }
0x9f: {  	_ =	swait.ge [sflag:s8], s6  }
0xa0: {  	s6 =	ssub.s32 $0x0, s6;
	[sflag:s8] =	ssyncset.done $0x0  }
0xa1: {  	[sflag:s8] =	ssyncadd.s32 s6;
	_ =	sdelay $0x1  }
0xa2: {  	s23 =	simm.s32 $0x1B8B  }
0xa3: {  	_ =	swait.ge [sflag:s23], $0x1  }
0xa4: {  	[sflag:s23] =	ssyncset.done $0x0  }
0xa5: {  	[sflag:s23] =	ssyncadd.s32 $0xFFFFFFFF  }
0xa6: {  	s6 =	sld [smem:$0x0]  }
0xa7: {  	s7 =	sand.u32 $0xFFFFFFFE, s1  }
0xa8: {  	p0 =	sne.s32 s1, s7  }
0xa9: {  	s7 =	sshll.u32 @p0 s7, $0xE  }
0xaa: {  	s7 =	sadd.s32 @p0 $0x11B8D, s7;
	s8 =	sshll.u32 @p0 s6, $0x11  }
0xab: {  	s7 =	sor.u32 @p0 s8, s7  }
0xac: {  	[sflag:s7] =	ssyncadd.remote.s32 @p0 $0x1;
	_ =	sdelay $0x1  }
0xad: {  	s7 =	simm.s32 @p0 $0x1B8D  }
0xae: {  	_ =	swait.eq @p0 [sflag:s7], $0x1  }
0xaf: {  	[sflag:s7] =	ssyncadd.s32 @p0 $0xFFFFFFFF  }
0xb0: {  	s8 =	sshll.u32 @!p0 s1, $0xE  }
0xb1: {  	s8 =	sor.u32 @!p0 $0x4000, s8;
	s7 =	simm.s32 @!p0 $0x1B8D  }
0xb2: {  	s6 =	sshll.u32 @!p0 s6, $0x11;
	s8 =	sadd.s32 @!p0 $0x11B8D, s8;
	_ =	swait.eq @!p0 [sflag:s7], $0x1  }
0xb3: {  	s6 =	sor.u32 @!p0 s6, s8;
	[sflag:s7] =	ssyncadd.s32 @!p0 $0xFFFFFFFF  }
0xb4: {  	s25 =	simm.s32 $0x1B8E;
	s24 =	sld [smem:$0x3FFE];
	[sflag:s6] =	ssyncadd.remote.s32 @!p0 $0x1  }
0xb5: {  	s26 =	simm.s32 $execute0_lowered;
	[smem:$0x3FD2] =	sst s25  }
0xb6: {  	s7 =	sshll.u32 s26, $0x1;
	_ =	strace $0x80000049;
	[dreg:$0x1] =	wrdreg $0xFFFFFFFF  }
0xb7: {  	s28 =	simm.s32 $_size_execute0_lowered;
	s5 =	sadd.s32 s5, s7;
	[dreg:$0x0] =	wrdreg $0x0  }
0xb8: {  	s7 =	sshll.u32 s28, $0x1;
	[dreg:$0x2] =	wrdreg s5  }
0xb9: {  	[dreg:$0x3] =	wrdreg s7  }
0xba: {  	[dreg:$0x4] =	wrdreg $0xC0  }
0xbb: {  	_ =	task [dreg:s22], $0x5FFFF  }
0xbc: {  	[dreg:$0x1] =	wrdreg $0xFFFFFFFF  }
0xbd: {  	[dreg:$0x0] =	wrdreg $0x60  }
0xbe: {  	[dreg:$0x2] =	wrdreg s4  }
0xbf: {  	[dreg:$0x3] =	wrdreg s24  }
0xc0: {  	[dreg:$0x4] =	wrdreg s18  }
0xc1: {  	[dreg:$0x5] =	wrdreg $0xA  }
0xc2: {  	_ =	task.clear_ibuf [dreg:s22], $0x6FFFF;
	_ =	strace $0x90000049  }
0xc3: {  	s29 =	simm.s32 $0xA;
	_ =	strace $0x8000004B  }
0xc4: {  	_ =	swait.ge [sflag:s29], $0x1  }
0xc5: {  	[sflag:s29] =	ssyncadd.s32 $0xFFFFFFFF  }
0xc6: {  	_ =	strace $0x9000004B  }
0xc7: {  	_ =	sfence  }
0xc8: {  	s30 =	sld [smem:$0x0];
	_ =	sdelay $0x2  }
0xc9: {  	s31 =	sshll.u32 s1, $0xD;
	s1 =	sshrl.u32 s1, $0x2  }
0xca: {  	s4 =	sand.u32 $0x4000, s31;
	s1 =	sadd.s32 s1, s30  }
0xcb: {  	s0 =	sor.u32 s4, s0;
	s1 =	sshll.u32 s1, $0x11  }
0xcc: {  	s0 =	sor.u32 s1, s0  }
0xcd: {  	s0 =	sadd.s32 $0x8F2B, s0  }
0xce: {  	[sflag:s0] =	ssyncadd.remote.s32 $0x1  }
0xcf: {  	_ =	sfence.sel $0xFFFF  }
0xd0: {  	[dreg:$0x0] =	wrdreg $0xFFFFFFFF;
	(pc) =	sbr.abs _section_cstart, $3  }
0xd1: {  	[dreg:$0x1] =	wrdreg $0xFFFFFFFF  }
0xd2: {  	_ =	task.clear_ibuf [dreg:s22], $0x2FFFF;
	_ =	strace $0x9FFFFFFF  }
0xd3: {  	(tm) =	ssettm $0x7FFFFFFF  }
tec
execute0_lowered:
.L_overlay_start_1:
0x0: {  	(tag) =	ssettag $0x1  }
0x1: {  	s4 =	rddreg [dreg:$0x0]  }
0x2: {  	s21 =	rddreg [dreg:$0x1]  }
0x3: {  	s1 =	srdreg.scid;
	s0 =	stileid.u32  }
0x4: {  	s2 =	rddreg [dreg:$0x2];
	s20 =	sand.u32 $0x1, s1;
	s5 =	sshll.u32 s0, $0x1  }
0x5: {  	s3 =	simm.s32 $0x0;
	s1 =	rddreg [dreg:$0x3];
	s22 =	sor.u32 s20, s5  }
0x6: {  	[smem:$0x7FF] =	sst s3;
	s23 =	sshll.u32 s22, $0x6  }
0x7: {  	_ =	strace $0x8000004A;
	s5 =	sadd.s32 s4, s23;
	s4 =	simm.s32 $0x3  }
0x8: {  	[tilespmem:s3], [sflag:$0x3] =	stream.linear.gather [hbm4b:s5+s3], $0x200, $0x38;
	[tilespmem:$0x4400] =	vst v63  }
0x9: {  	_ =	swait.ge [sflag:s4], $0x200  }
0xa: {  	s7 =	simm.s32 $0x80;
	[sflag:s4] =	ssyncset.done $0x0  }
0xb: {  	s8 =	simm.s32 $0x200;
	s6 =	sadd.s32 $0x12800, s21;
	[sflag:s4] =	ssyncadd.s32 $0xFFFFFE00  }
0xc: {  	[tilespmem:s8], [sflag:$0x1] =	stream.indirect.gather [hbm4b:s6+s7], $0x20, s3, s7, $0xb8;
	[tilespmem:$0x4400] =	vst v63  }
0xd: {  	s9 =	simm.s32 $0x4200  }
0xe: {  	[tilespmem:s9], [sflag:$0x2] =	stream.indirect.gather [hbm4b:s2+s7], $0x1, s3, s7, $0xb8;
	[tilespmem:$0x4400] =	vst v63  }
0xf: {  	s10 =	simm.s32 $0x1200  }
0x10: {  	[tilespmem:s10], [sflag:$0x1] =	stream.indirect.gather [hbm4b:s6+s7], $0x20, s7, s7, $0xb8;
	[tilespmem:$0x4400] =	vst v63  }
0x11: {  	s11 =	simm.s32 $0x4280  }
0x12: {  	[tilespmem:s11], [sflag:$0x2] =	stream.indirect.gather [hbm4b:s2+s7], $0x1, s7, s7, $0xb8;
	[tilespmem:$0x4400] =	vst v63  }
0x13: {  	s12 =	simm.s32 $0x100;
	s13 =	simm.s32 $0x2200  }
0x14: {  	[tilespmem:s13], [sflag:$0x1] =	stream.indirect.gather [hbm4b:s6+s7], $0x20, s12, s7, $0xb8;
	[tilespmem:$0x4400] =	vst v63  }
0x15: {  	s14 =	simm.s32 $0x4300  }
0x16: {  	[tilespmem:s14], [sflag:$0x2] =	stream.indirect.gather [hbm4b:s2+s7], $0x1, s12, s7, $0xb8;
	[tilespmem:$0x4400] =	vst v63  }
0x17: {  	s15 =	simm.s32 $0x180;
	s16 =	simm.s32 $0x3200  }
0x18: {  	[tilespmem:s16], [sflag:$0x1] =	stream.indirect.gather [hbm4b:s6+s7], $0x20, s15, s7, $0xb8;
	[tilespmem:$0x4400] =	vst v63  }
0x19: {  	s17 =	simm.s32 $0x4380;
	s18 =	simm.s32 $0x1  }
0x1a: {  	[tilespmem:s17], [sflag:$0x2] =	stream.indirect.gather [hbm4b:s2+s7], $0x1, s15, s7, $0xb8;
	[tilespmem:$0x4400] =	vst v63  }
0x1b: {  	_ =	swait.ge [sflag:s18], $0x1000  }
0x1c: {  	[sflag:s18] =	ssyncset.done $0x0  }
0x1d: {  	s19 =	simm.s32 $0x2;
	[sflag:s18] =	ssyncadd.s32 $0xFFFFF000  }
0x1e: {  	_ =	swait.ge [sflag:s19], $0x80  }
0x1f: {  	[sflag:s19] =	ssyncset.done $0x0  }
0x20: {  	[sflag:s19] =	ssyncadd.s32 $0xFFFFFF80  }
0x21: {  	_ =	swait.ge [sflag:s18], $0x1000  }
0x22: {  	[sflag:s18] =	ssyncset.done $0x0  }
0x23: {  	[sflag:s18] =	ssyncadd.s32 $0xFFFFF000  }
0x24: {  	_ =	swait.ge [sflag:s19], $0x80  }
0x25: {  	[sflag:s19] =	ssyncset.done $0x0  }
0x26: {  	[sflag:s19] =	ssyncadd.s32 $0xFFFFFF80  }
0x27: {  	_ =	swait.ge [sflag:s18], $0x1000  }
0x28: {  	[sflag:s18] =	ssyncset.done $0x0  }
0x29: {  	[sflag:s18] =	ssyncadd.s32 $0xFFFFF000  }
0x2a: {  	_ =	swait.ge [sflag:s19], $0x80  }
0x2b: {  	[sflag:s19] =	ssyncset.done $0x0  }
0x2c: {  	[sflag:s19] =	ssyncadd.s32 $0xFFFFFF80  }
0x2d: {  	_ =	swait.ge [sflag:s18], $0x1000  }
0x2e: {  	[sflag:s18] =	ssyncset.done $0x0  }
0x2f: {  	s24 =	ssub.s32 $0x2, s20;
	s22 =	sshll.u32 s22, $0xB;
	[sflag:s18] =	ssyncadd.s32 $0xFFFFF000  }
0x30: {  	s31 =	sshrl.u32 s24, $0x1;
	s22 =	sadd.s32 s22, s21;
	_ =	swait.ge [sflag:s19], $0x80  }
0x31: {  	s20 =	sadd.s32 $0x3E3A00, s22;
	s22 =	ssub.s32 s24, s31;
	[sflag:s19] =	ssyncset.done $0x0  }
0x32: {  	s22 =	smax.u32 s22, $0x1;
	[sflag:s19] =	ssyncadd.s32 $0xFFFFFF80  }
0x33: {  	[hbm4b:s20+s3] =	stream.linear.scatter [tilespmem:s8], [sflag:$0x3], $0x4000, $0x38;
	[tilespmem:$0x4400] =	vst v63  }
0x34: {  	p0 =	sne.s32 s22, $0x1;
	_ =	swait.ge [sflag:s4], $0x4000  }
.Ltmp0:
0x35: {  	s21 =	sadd.s32 s23, s21;
	[sflag:s4] =	ssyncset.done $0x0;
	(pc) =	sbr.rel @!p0 .LBB2_2-.Ltmp0, $4  }
0x36: {  	s21 =	sadd.s32 $0x3E3200, s21;
	[sflag:s4] =	ssyncadd.s32 $0xFFFFC000  }
0x37: {  	[hbm4b:s21+s3] =	stream.linear.scatter [tilespmem:s9], [sflag:$0x3], $0x200, $0x38;
	[tilespmem:$0x4400] =	vst v63  }
0x38: {  	_ =	swait.ge [sflag:s4], $0x200  }
0x39: {  	s22 =	sadd.s32 $0xFFFFFFFF, s22;
	[sflag:s4] =	ssyncset.done $0x0  }
.LBB2_1:
0x3a: {  	p0 =	sne.s32 s22, $0x1;
	s22 =	sadd.s32 $0xFFFFFFFF, s22;
	[sflag:s4] =	ssyncadd.s32 $0xFFFFFE00  }
0x3b: {  	[tilespmem:s3], [sflag:$0x3] =	stream.linear.gather [hbm4b:s5+s3], $0x200, $0x38;
	[tilespmem:$0x4400] =	vst v63  }
0x3c: {  	_ =	swait.ge [sflag:s4], $0x200  }
0x3d: {  	[sflag:s4] =	ssyncset.done $0x0  }
0x3e: {  	[sflag:s4] =	ssyncadd.s32 $0xFFFFFE00  }
0x3f: {  	[tilespmem:s8], [sflag:$0x1] =	stream.indirect.gather [hbm4b:s6+s7], $0x20, s3, s7, $0xb8;
	[tilespmem:$0x4400] =	vst v63  }
0x40: {  	_ = 	snop  }
0x41: {  	[tilespmem:s9], [sflag:$0x2] =	stream.indirect.gather [hbm4b:s2+s7], $0x1, s3, s7, $0xb8;
	[tilespmem:$0x4400] =	vst v63  }
0x42: {  	_ = 	snop  }
0x43: {  	[tilespmem:s10], [sflag:$0x1] =	stream.indirect.gather [hbm4b:s6+s7], $0x20, s7, s7, $0xb8;
	[tilespmem:$0x4400] =	vst v63  }
0x44: {  	_ = 	snop  }
0x45: {  	[tilespmem:s11], [sflag:$0x2] =	stream.indirect.gather [hbm4b:s2+s7], $0x1, s7, s7, $0xb8;
	[tilespmem:$0x4400] =	vst v63  }
0x46: {  	_ = 	snop  }
0x47: {  	[tilespmem:s13], [sflag:$0x1] =	stream.indirect.gather [hbm4b:s6+s7], $0x20, s12, s7, $0xb8;
	[tilespmem:$0x4400] =	vst v63  }
0x48: {  	_ = 	snop  }
0x49: {  	[tilespmem:s14], [sflag:$0x2] =	stream.indirect.gather [hbm4b:s2+s7], $0x1, s12, s7, $0xb8;
	[tilespmem:$0x4400] =	vst v63  }
0x4a: {  	_ = 	snop  }
0x4b: {  	[tilespmem:s16], [sflag:$0x1] =	stream.indirect.gather [hbm4b:s6+s7], $0x20, s15, s7, $0xb8;
	[tilespmem:$0x4400] =	vst v63  }
0x4c: {  	_ = 	snop  }
0x4d: {  	[tilespmem:s17], [sflag:$0x2] =	stream.indirect.gather [hbm4b:s2+s7], $0x1, s15, s7, $0xb8;
	[tilespmem:$0x4400] =	vst v63  }
0x4e: {  	_ =	swait.ge [sflag:s18], $0x1000  }
0x4f: {  	[sflag:s18] =	ssyncset.done $0x0  }
0x50: {  	[sflag:s18] =	ssyncadd.s32 $0xFFFFF000  }
0x51: {  	_ =	swait.ge [sflag:s19], $0x80  }
0x52: {  	[sflag:s19] =	ssyncset.done $0x0  }
0x53: {  	[sflag:s19] =	ssyncadd.s32 $0xFFFFFF80  }
0x54: {  	_ =	swait.ge [sflag:s18], $0x1000  }
0x55: {  	[sflag:s18] =	ssyncset.done $0x0  }
0x56: {  	[sflag:s18] =	ssyncadd.s32 $0xFFFFF000  }
0x57: {  	_ =	swait.ge [sflag:s19], $0x80  }
0x58: {  	[sflag:s19] =	ssyncset.done $0x0  }
0x59: {  	[sflag:s19] =	ssyncadd.s32 $0xFFFFFF80  }
0x5a: {  	_ =	swait.ge [sflag:s18], $0x1000  }
0x5b: {  	[sflag:s18] =	ssyncset.done $0x0  }
0x5c: {  	[sflag:s18] =	ssyncadd.s32 $0xFFFFF000  }
0x5d: {  	_ =	swait.ge [sflag:s19], $0x80  }
0x5e: {  	[sflag:s19] =	ssyncset.done $0x0  }
0x5f: {  	[sflag:s19] =	ssyncadd.s32 $0xFFFFFF80  }
0x60: {  	_ =	swait.ge [sflag:s18], $0x1000  }
0x61: {  	[sflag:s18] =	ssyncset.done $0x0  }
0x62: {  	[sflag:s18] =	ssyncadd.s32 $0xFFFFF000  }
0x63: {  	_ =	swait.ge [sflag:s19], $0x80  }
0x64: {  	[sflag:s19] =	ssyncset.done $0x0  }
0x65: {  	[sflag:s19] =	ssyncadd.s32 $0xFFFFFF80  }
0x66: {  	[hbm4b:s20+s3] =	stream.linear.scatter [tilespmem:s8], [sflag:$0x3], $0x4000, $0x38;
	[tilespmem:$0x4400] =	vst v63  }
0x67: {  	_ =	swait.ge [sflag:s4], $0x4000  }
.Ltmp1:
0x68: {  	[sflag:s4] =	ssyncset.done $0x0;
	(pc) =	sbr.rel @p0 .LBB2_1-.Ltmp1, $4  }
0x69: {  	[sflag:s4] =	ssyncadd.s32 $0xFFFFC000  }
0x6a: {  	[hbm4b:s21+s3] =	stream.linear.scatter [tilespmem:s9], [sflag:$0x3], $0x200, $0x38;
	[tilespmem:$0x4400] =	vst v63  }
0x6b: {  	_ =	swait.ge [sflag:s4], $0x200  }
0x6c: {  	[sflag:s4] =	ssyncset.done $0x0  }
.LBB2_2:
0x6d: {  	[sflag:s4] =	ssyncadd.s32 $0xFFFFFE00  }
0x6e: {  	_ =	sfence.sel $0x180000  }
0x6f: {  	[bflag:$0x0] =	sbarrier.arrive $0xFFFF  }
0x70: {  	p0 =	sne.s32 s0, $0x0;
	_ =	strace $0x9000004A  }
0x71: {  	s0 =	sadd.s32 @!p0 $0x100000, s1;
	[bflag:$0x2] =	sbarrier.arrive $0xFFFF  }
0x72: {  	[sflag:s0] =	ssyncadd.tile.s32 @!p0 $0x1;
	_ =	shalt  }
.Lfunc_end2:
_tile_overlayer_lowered:
.L_overlay_start_2:
0x73: {  	(tag) =	ssettag $0x2  }
0x74: {  	s0 =	rddreg [dreg:$0x0];
	s2 =	stileid.u32  }
0x75: {  	s1 =	rddreg [dreg:$0x1];
	p0 =	sne.s32 s2, $0x0  }
0x76: {  	s3 =	rddreg [dreg:$0x2];
	[bflag:$0x3] =	sbarrier.arrive $0xFFFF;
	s2 =	simm.s32 @!p0 $0x1C03  }
0x77: {  	[timem:s3], [sflag:s2] =	dma.local @!p0 [hbm:s0], s1  }
0x78: {  	s0 =	simm.s32 @!p0 $0x3  }
0x79: {  	_ =	swait.ge @!p0 [sflag:s0], s1  }
0x7a: {  	s1 =	ssub.s32 @!p0 $0x0, s1;
	[sflag:s0] =	ssyncset.done @!p0 $0x0  }
0x7b: {  	[sflag:s0] =	ssyncadd.s32 @!p0 s1  }
0x7c: {  	[bflag:$0x3] =	sbarrier.arrive $0xFFFF  }
0x7d: {  	_ =	shalt  }

</sc_bundles>
